<compile_context>
chip_gen: v7x
topology: tpu7x:2x2x1
jax: 0.10.2.dev20260603
libtpu: 0.0.44.dev20260713+nightly
codegen_flags: <defaults>
</compile_context>

<pallas_src>
import functools

import jax
import jax.numpy as jnp
from jax import lax
from jax.experimental import pallas as pl
from jax.experimental.pallas import tpu as pltpu
from jax.experimental.pallas import tpu_sc as plsc

_SCALING = 16 / 16

_R = 16
_V = 100000
_D = 128
_B = 4096
_L = 200
_NTOK = _B * _L

_NC = 2
_NS = 16
_NW = _NC * _NS
_RPC = 128
_NCHUNK = _NTOK // (_NW * _RPC)

_VBLK = 16384


def _table_body(a_ref, b_ref, o_ref):
    o_ref[...] = lax.dot_general(
        a_ref[...], b_ref[...],
        dimension_numbers=(((0,), (1,)), ((), ())),
        preferred_element_type=jnp.float32,
    ) * _SCALING


def _build_table(lora_A, lora_B):
    return pl.pallas_call(
        _table_body,
        grid=(pl.cdiv(_V, _VBLK),),
        in_specs=[
            pl.BlockSpec((_R, _VBLK), lambda i: (0, i)),
            pl.BlockSpec((_D, _R), lambda i: (0, 0)),
        ],
        out_specs=pl.BlockSpec((_VBLK, _D), lambda i: (i, 0)),
        out_shape=jax.ShapeDtypeStruct((_V, _D), jnp.float32),
    )(lora_A, lora_B)


_sc_mesh = plsc.VectorSubcoreMesh(core_axis_name="c", subcore_axis_name="s")


_PAIR = 2
_NPAIR = _NCHUNK // _PAIR
_NSLOT = 3


def _wait_gather(table_hbm, buf, sem):
    pltpu.make_async_copy(table_hbm.at[pl.ds(0, _RPC)], buf, sem).wait()


def _wait_write(out_hbm, buf, sem):
    pltpu.make_async_copy(buf, out_hbm.at[0, pl.ds(0, _PAIR)], sem).wait()


@functools.partial(
    pl.kernel,
    out_type=jax.ShapeDtypeStruct((_NW, _NCHUNK, _RPC, _D), jnp.float32),
    mesh=_sc_mesh,
    scratch_types=[
        pltpu.VMEM((_NCHUNK, _RPC), jnp.int32),
        [pltpu.VMEM((_PAIR, _RPC, _D), jnp.float32) for _ in range(_NSLOT)],
        [[pltpu.SemaphoreType.DMA for _ in range(_PAIR)]
         for _ in range(_NSLOT)],
        [pltpu.SemaphoreType.DMA for _ in range(_NSLOT)],
    ],
)
def _gather(table_hbm, idx_hbm, out_hbm, idx_v, bufs, gsems, wsems):
    wid = lax.axis_index("s") * _NC + lax.axis_index("c")
    pltpu.sync_copy(idx_hbm.at[wid], idx_v)

    def fill(sl, q):
        for k in range(_PAIR):
            pltpu.async_copy(table_hbm.at[idx_v.at[q * _PAIR + k]],
                             bufs[sl].at[k], gsems[sl][k])

    for sl in range(_NSLOT - 1):
        fill(sl, sl)

    def step(q, sl, refill):
        for k in range(_PAIR):
            _wait_gather(table_hbm, bufs[sl].at[k], gsems[sl][k])
        pltpu.async_copy(bufs[sl], out_hbm.at[wid, pl.ds(q * _PAIR, _PAIR)],
                         wsems[sl])
        if refill:
            sl2 = (sl - 1) % _NSLOT
            _wait_write(out_hbm, bufs[sl2], wsems[sl2])
            qr = jnp.minimum(q + _NSLOT - 1, _NPAIR - 1)
            for k in range(_PAIR):
                pltpu.async_copy(table_hbm.at[idx_v.at[qr * _PAIR + k]],
                                 bufs[sl2].at[k], gsems[sl2][k])

    step(0, 0, refill=False)
    fill(_NSLOT - 1, _NSLOT - 1)

    def body(bb, carry):
        q0 = 1 + bb * _NSLOT
        for u in range(_NSLOT):
            step(q0 + u, (1 + u) % _NSLOT, refill=True)
        return carry

    lax.fori_loop(0, (_NPAIR - 1) // _NSLOT, body, 0)

    _wait_write(out_hbm, bufs[(_NPAIR - 1) % _NSLOT],
                wsems[(_NPAIR - 1) % _NSLOT])
    for q in (_NPAIR - 2, _NPAIR - 1):
        sl2 = (q - 1) % _NSLOT
        for k in range(_PAIR):
            _wait_gather(table_hbm, bufs[sl2].at[k], gsems[sl2][k])


def kernel(x, lora_A, lora_B):
    idx = x.astype(jnp.int32).reshape(_NW, _NCHUNK, _RPC)
    table = _build_table(lora_A, lora_B)
    out = _gather(table, idx)
    return out.reshape(_B, _L, _D)

# --- scband reference (transcript-rebuilt; emitter-appended) ---
"""Pipeline reference for scband-embedding-adapter-13460427506052 (READ-ONLY COPY).

The authoritative reference and input builder live on the scoring server;
editing this copy changes nothing except your own understanding.
"""

import jax, jax.numpy as jnp
import numpy as np

SCALING = 16 / 16  # alpha / r

def setup_inputs(seed: int = 0) -> dict:
    key = jax.random.key(seed)
    k1, k2, k3 = jax.random.split(key, 3)
    x = jax.random.randint(k1, (4096, 200), 0, 100000, dtype=jnp.int64)
    # lora_A: (r, num_embeddings) = (16, 100000)
    lora_A = jax.random.normal(k2, (16, 100000), dtype=jnp.float32)
    # lora_B: (embedding_dim, r) = (128, 16)
    lora_B = jax.random.normal(k3, (128, 16), dtype=jnp.float32)
    return {"x": x, "lora_A": lora_A, "lora_B": lora_B}

def reference(x, lora_A, lora_B):
    # F.embedding(x, lora_A.T): gather rows of lora_A.T -> [B, L, r]
    emb = jnp.take(lora_A.T, x, axis=0)
    # emb @ lora_B.T * scaling -> [B, L, embedding_dim]
    out = emb @ lora_B.T * SCALING
    return out

if __name__ == "__main__":
    import jax
    _d = setup_inputs()
    print(jax.jit(kernel)(*tuple(_d.values())))

</pallas_src>

<mosaic_0001>
#map = affine_map<(d0, d1) -> (0, 0)>
#map1 = affine_map<(d0, d1) -> (0, 0, 0)>
#map2 = affine_map<(d0, d1) -> (0, 0, 0, 0)>
module attributes {stable_mosaic.version = 14 : i64} {
  func.func @_gather(%arg0: i32, %arg1: i32, %arg2: memref<100000x128xf32, #tpu.memory_space<hbm>>, %arg3: memref<32x200x128xi32, #tpu.memory_space<hbm>>, %arg4: memref<32x200x128x128xf32, #tpu.memory_space<hbm>>, %arg5: memref<200x128xi32, #tpu.memory_space<vmem>>, %arg6: memref<2x128x128xf32, #tpu.memory_space<vmem>>, %arg7: memref<2x128x128xf32, #tpu.memory_space<vmem>>, %arg8: memref<2x128x128xf32, #tpu.memory_space<vmem>>, %arg9: memref<!tpu.dma_semaphore, #tpu.memory_space<semaphore_mem>>, %arg10: memref<!tpu.dma_semaphore, #tpu.memory_space<semaphore_mem>>, %arg11: memref<!tpu.dma_semaphore, #tpu.memory_space<semaphore_mem>>, %arg12: memref<!tpu.dma_semaphore, #tpu.memory_space<semaphore_mem>>, %arg13: memref<!tpu.dma_semaphore, #tpu.memory_space<semaphore_mem>>, %arg14: memref<!tpu.dma_semaphore, #tpu.memory_space<semaphore_mem>>, %arg15: memref<!tpu.dma_semaphore, #tpu.memory_space<semaphore_mem>>, %arg16: memref<!tpu.dma_semaphore, #tpu.memory_space<semaphore_mem>>, %arg17: memref<!tpu.dma_semaphore, #tpu.memory_space<semaphore_mem>>) attributes {dimension_semantics = [#tpu.dimension_semantics<core_parallel>, #tpu.dimension_semantics<subcore_parallel>], iteration_bounds = array<i64: 2, 16>, scalar_prefetch = 0 : i64, scratch_operands = 13 : i64, tpu.core_type = #tpu.core_type<sc_vector_subcore>, window_params = [{transform_indices = #map}, {transform_indices = #map1}, {transform_indices = #map2}]} {
    %mul3A = arith.constant 2 : i32
    %mul3A_0 = arith.muli %arg1, %mul3A : i32
    %add3A = arith.addi %mul3A_0, %arg0 : i32
    "tpu.region"() ({
      %run_scoped3A = tpu.sem_alloc : memref<!tpu.dma_semaphore, #tpu.memory_space<semaphore_mem>>
      %dma_start3A_187 = arith.constant 0 : i32
      %dma_start3A_188 = arith.constant 0 : i32
      %dma_start3A_189 = tpu.memref_slice %arg3[%add3A, %dma_start3A_187, %dma_start3A_188] : memref<32x200x128xi32, #tpu.memory_space<hbm>> -> memref<1x200x128xi32, #tpu.memory_space<hbm>>
      %dma_start3A_190 = tpu.memref_squeeze %dma_start3A_189 : memref<1x200x128xi32, #tpu.memory_space<hbm>> -> memref<200x128xi32, #tpu.memory_space<hbm>>
      %dma_start3A_191 = arith.constant 0 : i32
      %dma_start3A_192 = arith.constant 0 : i32
      %dma_start3A_193 = tpu.memref_slice %arg3[%add3A, %dma_start3A_191, %dma_start3A_192] : memref<32x200x128xi32, #tpu.memory_space<hbm>> -> memref<1x200x128xi32, #tpu.memory_space<hbm>>
      %dma_start3A_194 = tpu.memref_squeeze %dma_start3A_193 : memref<1x200x128xi32, #tpu.memory_space<hbm>> -> memref<200x128xi32, #tpu.memory_space<hbm>>
      tpu.enqueue_dma source(%dma_start3A_194 : memref<200x128xi32, #tpu.memory_space<hbm>>) target(%arg5 : memref<200x128xi32, #tpu.memory_space<vmem>>) target_semaphore(%run_scoped3A : memref<!tpu.dma_semaphore, #tpu.memory_space<semaphore_mem>>)
      %dma_wait3A_195 = arith.constant 0 : i32
      %dma_wait3A_196 = arith.constant 0 : i32
      %dma_wait3A_197 = tpu.memref_slice %arg3[%add3A, %dma_wait3A_195, %dma_wait3A_196] : memref<32x200x128xi32, #tpu.memory_space<hbm>> -> memref<1x200x128xi32, #tpu.memory_space<hbm>>
      %dma_wait3A_198 = tpu.memref_squeeze %dma_wait3A_197 : memref<1x200x128xi32, #tpu.memory_space<hbm>> -> memref<200x128xi32, #tpu.memory_space<hbm>>
      %dma_wait3A_199 = arith.constant 0 : i32
      %dma_wait3A_200 = arith.constant 0 : i32
      %dma_wait3A_201 = tpu.memref_slice %arg3[%add3A, %dma_wait3A_199, %dma_wait3A_200] : memref<32x200x128xi32, #tpu.memory_space<hbm>> -> memref<1x200x128xi32, #tpu.memory_space<hbm>>
      %dma_wait3A_202 = tpu.memref_squeeze %dma_wait3A_201 : memref<1x200x128xi32, #tpu.memory_space<hbm>> -> memref<200x128xi32, #tpu.memory_space<hbm>>
      tpu.wait_dma2 semaphore(%run_scoped3A : memref<!tpu.dma_semaphore, #tpu.memory_space<semaphore_mem>>) src(%dma_wait3A_202 : memref<200x128xi32, #tpu.memory_space<hbm>>) dst(%arg5 : memref<200x128xi32, #tpu.memory_space<vmem>>)
      tpu.yield
    }) : () -> ()
    %dma_start3A = arith.constant 0 : i32
    %dma_start3A_1 = arith.constant 0 : i32
    %dma_start3A_2 = arith.constant 0 : i32
    %dma_start3A_3 = arith.constant 0 : i32
    %dma_start3A_4 = tpu.memref_slice %arg6[%dma_start3A_1, %dma_start3A_2, %dma_start3A_3] : memref<2x128x128xf32, #tpu.memory_space<vmem>> -> memref<1x128x128xf32, #tpu.memory_space<vmem>>
    %dma_start3A_5 = tpu.memref_squeeze %dma_start3A_4 : memref<1x128x128xf32, #tpu.memory_space<vmem>> -> memref<128x128xf32, #tpu.memory_space<vmem>>
    %dma_start3A_6 = arith.constant 0 : i32
    %dma_start3A_7 = tpu.memref_slice %arg5[%dma_start3A, %dma_start3A_6] : memref<200x128xi32, #tpu.memory_space<vmem>> -> memref<1x128xi32, #tpu.memory_space<vmem>>
    %dma_start3A_8 = tpu.memref_squeeze %dma_start3A_7 : memref<1x128xi32, #tpu.memory_space<vmem>> -> memref<128xi32, #tpu.memory_space<vmem>>
    %dma_start3A_9 = arith.constant 0 : i32
    %dma_start3A_10 = arith.constant 0 : i32
    %dma_start3A_11 = tpu.memref_slice %arg2[%dma_start3A_9, %dma_start3A_10] : memref<100000x128xf32, #tpu.memory_space<hbm>> -> memref<100000x128xf32, #tpu.memory_space<hbm>>
    tpu.enqueue_indirect_dma source(%dma_start3A_11 : memref<100000x128xf32, #tpu.memory_space<hbm>>) target(%dma_start3A_5 : memref<128x128xf32, #tpu.memory_space<vmem>>) offsets(%dma_start3A_8 : memref<128xi32, #tpu.memory_space<vmem>>) semaphore(%arg9 : memref<!tpu.dma_semaphore, #tpu.memory_space<semaphore_mem>>)
    %dma_start3A_12 = arith.constant 1 : i32
    %dma_start3A_13 = arith.constant 1 : i32
    %dma_start3A_14 = arith.constant 0 : i32
    %dma_start3A_15 = arith.constant 0 : i32
    %dma_start3A_16 = tpu.memref_slice %arg6[%dma_start3A_13, %dma_start3A_14, %dma_start3A_15] : memref<2x128x128xf32, #tpu.memory_space<vmem>> -> memref<1x128x128xf32, #tpu.memory_space<vmem>>
    %dma_start3A_17 = tpu.memref_squeeze %dma_start3A_16 : memref<1x128x128xf32, #tpu.memory_space<vmem>> -> memref<128x128xf32, #tpu.memory_space<vmem>>
    %dma_start3A_18 = arith.constant 0 : i32
    %dma_start3A_19 = tpu.memref_slice %arg5[%dma_start3A_12, %dma_start3A_18] : memref<200x128xi32, #tpu.memory_space<vmem>> -> memref<1x128xi32, #tpu.memory_space<vmem>>
    %dma_start3A_20 = tpu.memref_squeeze %dma_start3A_19 : memref<1x128xi32, #tpu.memory_space<vmem>> -> memref<128xi32, #tpu.memory_space<vmem>>
    %dma_start3A_21 = arith.constant 0 : i32
    %dma_start3A_22 = arith.constant 0 : i32
    %dma_start3A_23 = tpu.memref_slice %arg2[%dma_start3A_21, %dma_start3A_22] : memref<100000x128xf32, #tpu.memory_space<hbm>> -> memref<100000x128xf32, #tpu.memory_space<hbm>>
    tpu.enqueue_indirect_dma source(%dma_start3A_23 : memref<100000x128xf32, #tpu.memory_space<hbm>>) target(%dma_start3A_17 : memref<128x128xf32, #tpu.memory_space<vmem>>) offsets(%dma_start3A_20 : memref<128xi32, #tpu.memory_space<vmem>>) semaphore(%arg10 : memref<!tpu.dma_semaphore, #tpu.memory_space<semaphore_mem>>)
    %dma_start3A_24 = arith.constant 2 : i32
    %dma_start3A_25 = arith.constant 0 : i32
    %dma_start3A_26 = arith.constant 0 : i32
    %dma_start3A_27 = arith.constant 0 : i32
    %dma_start3A_28 = tpu.memref_slice %arg7[%dma_start3A_25, %dma_start3A_26, %dma_start3A_27] : memref<2x128x128xf32, #tpu.memory_space<vmem>> -> memref<1x128x128xf32, #tpu.memory_space<vmem>>
    %dma_start3A_29 = tpu.memref_squeeze %dma_start3A_28 : memref<1x128x128xf32, #tpu.memory_space<vmem>> -> memref<128x128xf32, #tpu.memory_space<vmem>>
    %dma_start3A_30 = arith.constant 0 : i32
    %dma_start3A_31 = tpu.memref_slice %arg5[%dma_start3A_24, %dma_start3A_30] : memref<200x128xi32, #tpu.memory_space<vmem>> -> memref<1x128xi32, #tpu.memory_space<vmem>>
    %dma_start3A_32 = tpu.memref_squeeze %dma_start3A_31 : memref<1x128xi32, #tpu.memory_space<vmem>> -> memref<128xi32, #tpu.memory_space<vmem>>
    %dma_start3A_33 = arith.constant 0 : i32
    %dma_start3A_34 = arith.constant 0 : i32
    %dma_start3A_35 = tpu.memref_slice %arg2[%dma_start3A_33, %dma_start3A_34] : memref<100000x128xf32, #tpu.memory_space<hbm>> -> memref<100000x128xf32, #tpu.memory_space<hbm>>
    tpu.enqueue_indirect_dma source(%dma_start3A_35 : memref<100000x128xf32, #tpu.memory_space<hbm>>) target(%dma_start3A_29 : memref<128x128xf32, #tpu.memory_space<vmem>>) offsets(%dma_start3A_32 : memref<128xi32, #tpu.memory_space<vmem>>) semaphore(%arg11 : memref<!tpu.dma_semaphore, #tpu.memory_space<semaphore_mem>>)
    %dma_start3A_36 = arith.constant 3 : i32
    %dma_start3A_37 = arith.constant 1 : i32
    %dma_start3A_38 = arith.constant 0 : i32
    %dma_start3A_39 = arith.constant 0 : i32
    %dma_start3A_40 = tpu.memref_slice %arg7[%dma_start3A_37, %dma_start3A_38, %dma_start3A_39] : memref<2x128x128xf32, #tpu.memory_space<vmem>> -> memref<1x128x128xf32, #tpu.memory_space<vmem>>
    %dma_start3A_41 = tpu.memref_squeeze %dma_start3A_40 : memref<1x128x128xf32, #tpu.memory_space<vmem>> -> memref<128x128xf32, #tpu.memory_space<vmem>>
    %dma_start3A_42 = arith.constant 0 : i32
    %dma_start3A_43 = tpu.memref_slice %arg5[%dma_start3A_36, %dma_start3A_42] : memref<200x128xi32, #tpu.memory_space<vmem>> -> memref<1x128xi32, #tpu.memory_space<vmem>>
    %dma_start3A_44 = tpu.memref_squeeze %dma_start3A_43 : memref<1x128xi32, #tpu.memory_space<vmem>> -> memref<128xi32, #tpu.memory_space<vmem>>
    %dma_start3A_45 = arith.constant 0 : i32
    %dma_start3A_46 = arith.constant 0 : i32
    %dma_start3A_47 = tpu.memref_slice %arg2[%dma_start3A_45, %dma_start3A_46] : memref<100000x128xf32, #tpu.memory_space<hbm>> -> memref<100000x128xf32, #tpu.memory_space<hbm>>
    tpu.enqueue_indirect_dma source(%dma_start3A_47 : memref<100000x128xf32, #tpu.memory_space<hbm>>) target(%dma_start3A_41 : memref<128x128xf32, #tpu.memory_space<vmem>>) offsets(%dma_start3A_44 : memref<128xi32, #tpu.memory_space<vmem>>) semaphore(%arg12 : memref<!tpu.dma_semaphore, #tpu.memory_space<semaphore_mem>>)
    %dma_wait3A = arith.constant 0 : i32
    %dma_wait3A_48 = arith.constant 0 : i32
    %dma_wait3A_49 = arith.constant 0 : i32
    %dma_wait3A_50 = tpu.memref_slice %arg6[%dma_wait3A, %dma_wait3A_48, %dma_wait3A_49] : memref<2x128x128xf32, #tpu.memory_space<vmem>> -> memref<1x128x128xf32, #tpu.memory_space<vmem>>
    %dma_wait3A_51 = tpu.memref_squeeze %dma_wait3A_50 : memref<1x128x128xf32, #tpu.memory_space<vmem>> -> memref<128x128xf32, #tpu.memory_space<vmem>>
    %dma_wait3A_52 = arith.constant 0 : i32
    %dma_wait3A_53 = arith.constant 0 : i32
    %dma_wait3A_54 = tpu.memref_slice %arg2[%dma_wait3A_52, %dma_wait3A_53] : memref<100000x128xf32, #tpu.memory_space<hbm>> -> memref<128x128xf32, #tpu.memory_space<hbm>>
    %dma_wait3A_55 = arith.constant 0 : i32
    %dma_wait3A_56 = arith.constant 0 : i32
    %dma_wait3A_57 = tpu.memref_slice %arg6[%dma_wait3A, %dma_wait3A_55, %dma_wait3A_56] : memref<2x128x128xf32, #tpu.memory_space<vmem>> -> memref<1x128x128xf32, #tpu.memory_space<vmem>>
    %dma_wait3A_58 = tpu.memref_squeeze %dma_wait3A_57 : memref<1x128x128xf32, #tpu.memory_space<vmem>> -> memref<128x128xf32, #tpu.memory_space<vmem>>
    %dma_wait3A_59 = arith.constant 0 : i32
    %dma_wait3A_60 = arith.constant 0 : i32
    %dma_wait3A_61 = tpu.memref_slice %arg2[%dma_wait3A_59, %dma_wait3A_60] : memref<100000x128xf32, #tpu.memory_space<hbm>> -> memref<128x128xf32, #tpu.memory_space<hbm>>
    tpu.wait_dma2 semaphore(%arg9 : memref<!tpu.dma_semaphore, #tpu.memory_space<semaphore_mem>>) src(%dma_wait3A_61 : memref<128x128xf32, #tpu.memory_space<hbm>>) dst(%dma_wait3A_58 : memref<128x128xf32, #tpu.memory_space<vmem>>)
    %dma_wait3A_62 = arith.constant 1 : i32
    %dma_wait3A_63 = arith.constant 0 : i32
    %dma_wait3A_64 = arith.constant 0 : i32
    %dma_wait3A_65 = tpu.memref_slice %arg6[%dma_wait3A_62, %dma_wait3A_63, %dma_wait3A_64] : memref<2x128x128xf32, #tpu.memory_space<vmem>> -> memref<1x128x128xf32, #tpu.memory_space<vmem>>
    %dma_wait3A_66 = tpu.memref_squeeze %dma_wait3A_65 : memref<1x128x128xf32, #tpu.memory_space<vmem>> -> memref<128x128xf32, #tpu.memory_space<vmem>>
    %dma_wait3A_67 = arith.constant 0 : i32
    %dma_wait3A_68 = arith.constant 0 : i32
    %dma_wait3A_69 = tpu.memref_slice %arg2[%dma_wait3A_67, %dma_wait3A_68] : memref<100000x128xf32, #tpu.memory_space<hbm>> -> memref<128x128xf32, #tpu.memory_space<hbm>>
    %dma_wait3A_70 = arith.constant 0 : i32
    %dma_wait3A_71 = arith.constant 0 : i32
    %dma_wait3A_72 = tpu.memref_slice %arg6[%dma_wait3A_62, %dma_wait3A_70, %dma_wait3A_71] : memref<2x128x128xf32, #tpu.memory_space<vmem>> -> memref<1x128x128xf32, #tpu.memory_space<vmem>>
    %dma_wait3A_73 = tpu.memref_squeeze %dma_wait3A_72 : memref<1x128x128xf32, #tpu.memory_space<vmem>> -> memref<128x128xf32, #tpu.memory_space<vmem>>
    %dma_wait3A_74 = arith.constant 0 : i32
    %dma_wait3A_75 = arith.constant 0 : i32
    %dma_wait3A_76 = tpu.memref_slice %arg2[%dma_wait3A_74, %dma_wait3A_75] : memref<100000x128xf32, #tpu.memory_space<hbm>> -> memref<128x128xf32, #tpu.memory_space<hbm>>
    tpu.wait_dma2 semaphore(%arg10 : memref<!tpu.dma_semaphore, #tpu.memory_space<semaphore_mem>>) src(%dma_wait3A_76 : memref<128x128xf32, #tpu.memory_space<hbm>>) dst(%dma_wait3A_73 : memref<128x128xf32, #tpu.memory_space<vmem>>)
    %dma_start3A_77 = arith.constant 0 : i32
    %dma_start3A_78 = arith.constant 0 : i32
    %dma_start3A_79 = arith.constant 0 : i32
    %dma_start3A_80 = tpu.memref_slice %arg4[%add3A, %dma_start3A_77, %dma_start3A_78, %dma_start3A_79] : memref<32x200x128x128xf32, #tpu.memory_space<hbm>> -> memref<1x2x128x128xf32, #tpu.memory_space<hbm>>
    %dma_start3A_81 = tpu.memref_squeeze %dma_start3A_80 : memref<1x2x128x128xf32, #tpu.memory_space<hbm>> -> memref<2x128x128xf32, #tpu.memory_space<hbm>>
    %dma_start3A_82 = arith.constant 0 : i32
    %dma_start3A_83 = arith.constant 0 : i32
    %dma_start3A_84 = arith.constant 0 : i32
    %dma_start3A_85 = tpu.memref_slice %arg4[%add3A, %dma_start3A_82, %dma_start3A_83, %dma_start3A_84] : memref<32x200x128x128xf32, #tpu.memory_space<hbm>> -> memref<1x2x128x128xf32, #tpu.memory_space<hbm>>
    %dma_start3A_86 = tpu.memref_squeeze %dma_start3A_85 : memref<1x2x128x128xf32, #tpu.memory_space<hbm>> -> memref<2x128x128xf32, #tpu.memory_space<hbm>>
    tpu.enqueue_dma source(%arg6 : memref<2x128x128xf32, #tpu.memory_space<vmem>>) target(%dma_start3A_86 : memref<2x128x128xf32, #tpu.memory_space<hbm>>) target_semaphore(%arg15 : memref<!tpu.dma_semaphore, #tpu.memory_space<semaphore_mem>>)
    %dma_start3A_87 = arith.constant 4 : i32
    %dma_start3A_88 = arith.constant 0 : i32
    %dma_start3A_89 = arith.constant 0 : i32
    %dma_start3A_90 = arith.constant 0 : i32
    %dma_start3A_91 = tpu.memref_slice %arg8[%dma_start3A_88, %dma_start3A_89, %dma_start3A_90] : memref<2x128x128xf32, #tpu.memory_space<vmem>> -> memref<1x128x128xf32, #tpu.memory_space<vmem>>
    %dma_start3A_92 = tpu.memref_squeeze %dma_start3A_91 : memref<1x128x128xf32, #tpu.memory_space<vmem>> -> memref<128x128xf32, #tpu.memory_space<vmem>>
    %dma_start3A_93 = arith.constant 0 : i32
    %dma_start3A_94 = tpu.memref_slice %arg5[%dma_start3A_87, %dma_start3A_93] : memref<200x128xi32, #tpu.memory_space<vmem>> -> memref<1x128xi32, #tpu.memory_space<vmem>>
    %dma_start3A_95 = tpu.memref_squeeze %dma_start3A_94 : memref<1x128xi32, #tpu.memory_space<vmem>> -> memref<128xi32, #tpu.memory_space<vmem>>
    %dma_start3A_96 = arith.constant 0 : i32
    %dma_start3A_97 = arith.constant 0 : i32
    %dma_start3A_98 = tpu.memref_slice %arg2[%dma_start3A_96, %dma_start3A_97] : memref<100000x128xf32, #tpu.memory_space<hbm>> -> memref<100000x128xf32, #tpu.memory_space<hbm>>
    tpu.enqueue_indirect_dma source(%dma_start3A_98 : memref<100000x128xf32, #tpu.memory_space<hbm>>) target(%dma_start3A_92 : memref<128x128xf32, #tpu.memory_space<vmem>>) offsets(%dma_start3A_95 : memref<128xi32, #tpu.memory_space<vmem>>) semaphore(%arg13 : memref<!tpu.dma_semaphore, #tpu.memory_space<semaphore_mem>>)
    %dma_start3A_99 = arith.constant 5 : i32
    %dma_start3A_100 = arith.constant 1 : i32
    %dma_start3A_101 = arith.constant 0 : i32
    %dma_start3A_102 = arith.constant 0 : i32
    %dma_start3A_103 = tpu.memref_slice %arg8[%dma_start3A_100, %dma_start3A_101, %dma_start3A_102] : memref<2x128x128xf32, #tpu.memory_space<vmem>> -> memref<1x128x128xf32, #tpu.memory_space<vmem>>
    %dma_start3A_104 = tpu.memref_squeeze %dma_start3A_103 : memref<1x128x128xf32, #tpu.memory_space<vmem>> -> memref<128x128xf32, #tpu.memory_space<vmem>>
    %dma_start3A_105 = arith.constant 0 : i32
    %dma_start3A_106 = tpu.memref_slice %arg5[%dma_start3A_99, %dma_start3A_105] : memref<200x128xi32, #tpu.memory_space<vmem>> -> memref<1x128xi32, #tpu.memory_space<vmem>>
    %dma_start3A_107 = tpu.memref_squeeze %dma_start3A_106 : memref<1x128xi32, #tpu.memory_space<vmem>> -> memref<128xi32, #tpu.memory_space<vmem>>
    %dma_start3A_108 = arith.constant 0 : i32
    %dma_start3A_109 = arith.constant 0 : i32
    %dma_start3A_110 = tpu.memref_slice %arg2[%dma_start3A_108, %dma_start3A_109] : memref<100000x128xf32, #tpu.memory_space<hbm>> -> memref<100000x128xf32, #tpu.memory_space<hbm>>
    tpu.enqueue_indirect_dma source(%dma_start3A_110 : memref<100000x128xf32, #tpu.memory_space<hbm>>) target(%dma_start3A_104 : memref<128x128xf32, #tpu.memory_space<vmem>>) offsets(%dma_start3A_107 : memref<128xi32, #tpu.memory_space<vmem>>) semaphore(%arg14 : memref<!tpu.dma_semaphore, #tpu.memory_space<semaphore_mem>>)
    %scan3A = arith.constant 0 : i32
    %scan3A_111 = arith.constant 0 : i32
    %scan3A_112 = arith.constant 33 : i32
    %scan3A_113 = arith.addi %scan3A_111, %scan3A_112 : i32
    %scan3A_114 = arith.constant 1 : i32
    scf.for %scan3A_187 = %scan3A_111 to %scan3A_113 step %scan3A_114  : i32 {
      %mul3A_188 = arith.constant 3 : i32
      %mul3A_189 = arith.muli %scan3A_187, %mul3A_188 : i32
      %add3A_190 = arith.constant 1 : i32
      %add3A_191 = arith.addi %add3A_190, %mul3A_189 : i32
      %add3A_192 = arith.constant 0 : i32
      %add3A_193 = arith.addi %add3A_191, %add3A_192 : i32
      %dma_wait3A_194 = arith.constant 0 : i32
      %dma_wait3A_195 = arith.constant 0 : i32
      %dma_wait3A_196 = arith.constant 0 : i32
      %dma_wait3A_197 = tpu.memref_slice %arg7[%dma_wait3A_194, %dma_wait3A_195, %dma_wait3A_196] : memref<2x128x128xf32, #tpu.memory_space<vmem>> -> memref<1x128x128xf32, #tpu.memory_space<vmem>>
      %dma_wait3A_198 = tpu.memref_squeeze %dma_wait3A_197 : memref<1x128x128xf32, #tpu.memory_space<vmem>> -> memref<128x128xf32, #tpu.memory_space<vmem>>
      %dma_wait3A_199 = arith.constant 0 : i32
      %dma_wait3A_200 = arith.constant 0 : i32
      %dma_wait3A_201 = tpu.memref_slice %arg2[%dma_wait3A_199, %dma_wait3A_200] : memref<100000x128xf32, #tpu.memory_space<hbm>> -> memref<128x128xf32, #tpu.memory_space<hbm>>
      %dma_wait3A_202 = arith.constant 0 : i32
      %dma_wait3A_203 = arith.constant 0 : i32
      %dma_wait3A_204 = tpu.memref_slice %arg7[%dma_wait3A_194, %dma_wait3A_202, %dma_wait3A_203] : memref<2x128x128xf32, #tpu.memory_space<vmem>> -> memref<1x128x128xf32, #tpu.memory_space<vmem>>
      %dma_wait3A_205 = tpu.memref_squeeze %dma_wait3A_204 : memref<1x128x128xf32, #tpu.memory_space<vmem>> -> memref<128x128xf32, #tpu.memory_space<vmem>>
      %dma_wait3A_206 = arith.constant 0 : i32
      %dma_wait3A_207 = arith.constant 0 : i32
      %dma_wait3A_208 = tpu.memref_slice %arg2[%dma_wait3A_206, %dma_wait3A_207] : memref<100000x128xf32, #tpu.memory_space<hbm>> -> memref<128x128xf32, #tpu.memory_space<hbm>>
      tpu.wait_dma2 semaphore(%arg11 : memref<!tpu.dma_semaphore, #tpu.memory_space<semaphore_mem>>) src(%dma_wait3A_208 : memref<128x128xf32, #tpu.memory_space<hbm>>) dst(%dma_wait3A_205 : memref<128x128xf32, #tpu.memory_space<vmem>>)
      %dma_wait3A_209 = arith.constant 1 : i32
      %dma_wait3A_210 = arith.constant 0 : i32
      %dma_wait3A_211 = arith.constant 0 : i32
      %dma_wait3A_212 = tpu.memref_slice %arg7[%dma_wait3A_209, %dma_wait3A_210, %dma_wait3A_211] : memref<2x128x128xf32, #tpu.memory_space<vmem>> -> memref<1x128x128xf32, #tpu.memory_space<vmem>>
      %dma_wait3A_213 = tpu.memref_squeeze %dma_wait3A_212 : memref<1x128x128xf32, #tpu.memory_space<vmem>> -> memref<128x128xf32, #tpu.memory_space<vmem>>
      %dma_wait3A_214 = arith.constant 0 : i32
      %dma_wait3A_215 = arith.constant 0 : i32
      %dma_wait3A_216 = tpu.memref_slice %arg2[%dma_wait3A_214, %dma_wait3A_215] : memref<100000x128xf32, #tpu.memory_space<hbm>> -> memref<128x128xf32, #tpu.memory_space<hbm>>
      %dma_wait3A_217 = arith.constant 0 : i32
      %dma_wait3A_218 = arith.constant 0 : i32
      %dma_wait3A_219 = tpu.memref_slice %arg7[%dma_wait3A_209, %dma_wait3A_217, %dma_wait3A_218] : memref<2x128x128xf32, #tpu.memory_space<vmem>> -> memref<1x128x128xf32, #tpu.memory_space<vmem>>
      %dma_wait3A_220 = tpu.memref_squeeze %dma_wait3A_219 : memref<1x128x128xf32, #tpu.memory_space<vmem>> -> memref<128x128xf32, #tpu.memory_space<vmem>>
      %dma_wait3A_221 = arith.constant 0 : i32
      %dma_wait3A_222 = arith.constant 0 : i32
      %dma_wait3A_223 = tpu.memref_slice %arg2[%dma_wait3A_221, %dma_wait3A_222] : memref<100000x128xf32, #tpu.memory_space<hbm>> -> memref<128x128xf32, #tpu.memory_space<hbm>>
      tpu.wait_dma2 semaphore(%arg12 : memref<!tpu.dma_semaphore, #tpu.memory_space<semaphore_mem>>) src(%dma_wait3A_223 : memref<128x128xf32, #tpu.memory_space<hbm>>) dst(%dma_wait3A_220 : memref<128x128xf32, #tpu.memory_space<vmem>>)
      %mul3A_224 = arith.constant 2 : i32
      %mul3A_225 = arith.muli %add3A_193, %mul3A_224 : i32
      %dma_start3A_226 = arith.constant 0 : i32
      %dma_start3A_227 = arith.constant 0 : i32
      %dma_start3A_228 = tpu.memref_slice %arg4[%add3A, %mul3A_225, %dma_start3A_226, %dma_start3A_227] : memref<32x200x128x128xf32, #tpu.memory_space<hbm>> -> memref<1x2x128x128xf32, #tpu.memory_space<hbm>>
      %dma_start3A_229 = tpu.memref_squeeze %dma_start3A_228 : memref<1x2x128x128xf32, #tpu.memory_space<hbm>> -> memref<2x128x128xf32, #tpu.memory_space<hbm>>
      %dma_start3A_230 = arith.constant 0 : i32
      %dma_start3A_231 = arith.constant 0 : i32
      %dma_start3A_232 = tpu.memref_slice %arg4[%add3A, %mul3A_225, %dma_start3A_230, %dma_start3A_231] : memref<32x200x128x128xf32, #tpu.memory_space<hbm>> -> memref<1x2x128x128xf32, #tpu.memory_space<hbm>>
      %dma_start3A_233 = tpu.memref_squeeze %dma_start3A_232 : memref<1x2x128x128xf32, #tpu.memory_space<hbm>> -> memref<2x128x128xf32, #tpu.memory_space<hbm>>
      tpu.enqueue_dma source(%arg7 : memref<2x128x128xf32, #tpu.memory_space<vmem>>) target(%dma_start3A_233 : memref<2x128x128xf32, #tpu.memory_space<hbm>>) target_semaphore(%arg16 : memref<!tpu.dma_semaphore, #tpu.memory_space<semaphore_mem>>)
      %dma_wait3A_234 = arith.constant 0 : i32
      %dma_wait3A_235 = arith.constant 0 : i32
      %dma_wait3A_236 = arith.constant 0 : i32
      %dma_wait3A_237 = arith.constant 0 : i32
      %dma_wait3A_238 = tpu.memref_slice %arg4[%dma_wait3A_234, %dma_wait3A_235, %dma_wait3A_236, %dma_wait3A_237] : memref<32x200x128x128xf32, #tpu.memory_space<hbm>> -> memref<1x2x128x128xf32, #tpu.memory_space<hbm>>
      %dma_wait3A_239 = tpu.memref_squeeze %dma_wait3A_238 : memref<1x2x128x128xf32, #tpu.memory_space<hbm>> -> memref<2x128x128xf32, #tpu.memory_space<hbm>>
      %dma_wait3A_240 = arith.constant 0 : i32
      %dma_wait3A_241 = arith.constant 0 : i32
      %dma_wait3A_242 = arith.constant 0 : i32
      %dma_wait3A_243 = tpu.memref_slice %arg4[%dma_wait3A_234, %dma_wait3A_240, %dma_wait3A_241, %dma_wait3A_242] : memref<32x200x128x128xf32, #tpu.memory_space<hbm>> -> memref<1x2x128x128xf32, #tpu.memory_space<hbm>>
      %dma_wait3A_244 = tpu.memref_squeeze %dma_wait3A_243 : memref<1x2x128x128xf32, #tpu.memory_space<hbm>> -> memref<2x128x128xf32, #tpu.memory_space<hbm>>
      tpu.wait_dma2 semaphore(%arg15 : memref<!tpu.dma_semaphore, #tpu.memory_space<semaphore_mem>>) src(%arg6 : memref<2x128x128xf32, #tpu.memory_space<vmem>>) dst(%dma_wait3A_244 : memref<2x128x128xf32, #tpu.memory_space<hbm>>)
      %add3A_245 = arith.constant 3 : i32
      %add3A_246 = arith.addi %add3A_193, %add3A_245 : i32
      %sub3A = arith.constant 1 : i32
      %sub3A_247 = arith.subi %add3A_246, %sub3A : i32
      %min3A = arith.constant 99 : i32
      %min3A_248 = arith.minsi %sub3A_247, %min3A : i32
      %mul3A_249 = arith.constant 2 : i32
      %mul3A_250 = arith.muli %min3A_248, %mul3A_249 : i32
      %add3A_251 = arith.constant 0 : i32
      %add3A_252 = arith.addi %mul3A_250, %add3A_251 : i32
      %dma_start3A_253 = arith.constant 0 : i32
      %dma_start3A_254 = arith.constant 0 : i32
      %dma_start3A_255 = arith.constant 0 : i32
      %dma_start3A_256 = tpu.memref_slice %arg6[%dma_start3A_253, %dma_start3A_254, %dma_start3A_255] : memref<2x128x128xf32, #tpu.memory_space<vmem>> -> memref<1x128x128xf32, #tpu.memory_space<vmem>>
      %dma_start3A_257 = tpu.memref_squeeze %dma_start3A_256 : memref<1x128x128xf32, #tpu.memory_space<vmem>> -> memref<128x128xf32, #tpu.memory_space<vmem>>
      %dma_start3A_258 = arith.constant 0 : i32
      %dma_start3A_259 = tpu.memref_slice %arg5[%add3A_252, %dma_start3A_258] : memref<200x128xi32, #tpu.memory_space<vmem>> -> memref<1x128xi32, #tpu.memory_space<vmem>>
      %dma_start3A_260 = tpu.memref_squeeze %dma_start3A_259 : memref<1x128xi32, #tpu.memory_space<vmem>> -> memref<128xi32, #tpu.memory_space<vmem>>
      %dma_start3A_261 = arith.constant 0 : i32
      %dma_start3A_262 = arith.constant 0 : i32
      %dma_start3A_263 = tpu.memref_slice %arg2[%dma_start3A_261, %dma_start3A_262] : memref<100000x128xf32, #tpu.memory_space<hbm>> -> memref<100000x128xf32, #tpu.memory_space<hbm>>
      tpu.enqueue_indirect_dma source(%dma_start3A_263 : memref<100000x128xf32, #tpu.memory_space<hbm>>) target(%dma_start3A_257 : memref<128x128xf32, #tpu.memory_space<vmem>>) offsets(%dma_start3A_260 : memref<128xi32, #tpu.memory_space<vmem>>) semaphore(%arg9 : memref<!tpu.dma_semaphore, #tpu.memory_space<semaphore_mem>>)
      %mul3A_264 = arith.constant 2 : i32
      %mul3A_265 = arith.muli %min3A_248, %mul3A_264 : i32
      %add3A_266 = arith.constant 1 : i32
      %add3A_267 = arith.addi %mul3A_265, %add3A_266 : i32
      %dma_start3A_268 = arith.constant 1 : i32
      %dma_start3A_269 = arith.constant 0 : i32
      %dma_start3A_270 = arith.constant 0 : i32
      %dma_start3A_271 = tpu.memref_slice %arg6[%dma_start3A_268, %dma_start3A_269, %dma_start3A_270] : memref<2x128x128xf32, #tpu.memory_space<vmem>> -> memref<1x128x128xf32, #tpu.memory_space<vmem>>
      %dma_start3A_272 = tpu.memref_squeeze %dma_start3A_271 : memref<1x128x128xf32, #tpu.memory_space<vmem>> -> memref<128x128xf32, #tpu.memory_space<vmem>>
      %dma_start3A_273 = arith.constant 0 : i32
      %dma_start3A_274 = tpu.memref_slice %arg5[%add3A_267, %dma_start3A_273] : memref<200x128xi32, #tpu.memory_space<vmem>> -> memref<1x128xi32, #tpu.memory_space<vmem>>
      %dma_start3A_275 = tpu.memref_squeeze %dma_start3A_274 : memref<1x128xi32, #tpu.memory_space<vmem>> -> memref<128xi32, #tpu.memory_space<vmem>>
      %dma_start3A_276 = arith.constant 0 : i32
      %dma_start3A_277 = arith.constant 0 : i32
      %dma_start3A_278 = tpu.memref_slice %arg2[%dma_start3A_276, %dma_start3A_277] : memref<100000x128xf32, #tpu.memory_space<hbm>> -> memref<100000x128xf32, #tpu.memory_space<hbm>>
      tpu.enqueue_indirect_dma source(%dma_start3A_278 : memref<100000x128xf32, #tpu.memory_space<hbm>>) target(%dma_start3A_272 : memref<128x128xf32, #tpu.memory_space<vmem>>) offsets(%dma_start3A_275 : memref<128xi32, #tpu.memory_space<vmem>>) semaphore(%arg10 : memref<!tpu.dma_semaphore, #tpu.memory_space<semaphore_mem>>)
      %add3A_279 = arith.constant 1 : i32
      %add3A_280 = arith.addi %add3A_191, %add3A_279 : i32
      %dma_wait3A_281 = arith.constant 0 : i32
      %dma_wait3A_282 = arith.constant 0 : i32
      %dma_wait3A_283 = arith.constant 0 : i32
      %dma_wait3A_284 = tpu.memref_slice %arg8[%dma_wait3A_281, %dma_wait3A_282, %dma_wait3A_283] : memref<2x128x128xf32, #tpu.memory_space<vmem>> -> memref<1x128x128xf32, #tpu.memory_space<vmem>>
      %dma_wait3A_285 = tpu.memref_squeeze %dma_wait3A_284 : memref<1x128x128xf32, #tpu.memory_space<vmem>> -> memref<128x128xf32, #tpu.memory_space<vmem>>
      %dma_wait3A_286 = arith.constant 0 : i32
      %dma_wait3A_287 = arith.constant 0 : i32
      %dma_wait3A_288 = tpu.memref_slice %arg2[%dma_wait3A_286, %dma_wait3A_287] : memref<100000x128xf32, #tpu.memory_space<hbm>> -> memref<128x128xf32, #tpu.memory_space<hbm>>
      %dma_wait3A_289 = arith.constant 0 : i32
      %dma_wait3A_290 = arith.constant 0 : i32
      %dma_wait3A_291 = tpu.memref_slice %arg8[%dma_wait3A_281, %dma_wait3A_289, %dma_wait3A_290] : memref<2x128x128xf32, #tpu.memory_space<vmem>> -> memref<1x128x128xf32, #tpu.memory_space<vmem>>
      %dma_wait3A_292 = tpu.memref_squeeze %dma_wait3A_291 : memref<1x128x128xf32, #tpu.memory_space<vmem>> -> memref<128x128xf32, #tpu.memory_space<vmem>>
      %dma_wait3A_293 = arith.constant 0 : i32
      %dma_wait3A_294 = arith.constant 0 : i32
      %dma_wait3A_295 = tpu.memref_slice %arg2[%dma_wait3A_293, %dma_wait3A_294] : memref<100000x128xf32, #tpu.memory_space<hbm>> -> memref<128x128xf32, #tpu.memory_space<hbm>>
      tpu.wait_dma2 semaphore(%arg13 : memref<!tpu.dma_semaphore, #tpu.memory_space<semaphore_mem>>) src(%dma_wait3A_295 : memref<128x128xf32, #tpu.memory_space<hbm>>) dst(%dma_wait3A_292 : memref<128x128xf32, #tpu.memory_space<vmem>>)
      %dma_wait3A_296 = arith.constant 1 : i32
      %dma_wait3A_297 = arith.constant 0 : i32
      %dma_wait3A_298 = arith.constant 0 : i32
      %dma_wait3A_299 = tpu.memref_slice %arg8[%dma_wait3A_296, %dma_wait3A_297, %dma_wait3A_298] : memref<2x128x128xf32, #tpu.memory_space<vmem>> -> memref<1x128x128xf32, #tpu.memory_space<vmem>>
      %dma_wait3A_300 = tpu.memref_squeeze %dma_wait3A_299 : memref<1x128x128xf32, #tpu.memory_space<vmem>> -> memref<128x128xf32, #tpu.memory_space<vmem>>
      %dma_wait3A_301 = arith.constant 0 : i32
      %dma_wait3A_302 = arith.constant 0 : i32
      %dma_wait3A_303 = tpu.memref_slice %arg2[%dma_wait3A_301, %dma_wait3A_302] : memref<100000x128xf32, #tpu.memory_space<hbm>> -> memref<128x128xf32, #tpu.memory_space<hbm>>
      %dma_wait3A_304 = arith.constant 0 : i32
      %dma_wait3A_305 = arith.constant 0 : i32
      %dma_wait3A_306 = tpu.memref_slice %arg8[%dma_wait3A_296, %dma_wait3A_304, %dma_wait3A_305] : memref<2x128x128xf32, #tpu.memory_space<vmem>> -> memref<1x128x128xf32, #tpu.memory_space<vmem>>
      %dma_wait3A_307 = tpu.memref_squeeze %dma_wait3A_306 : memref<1x128x128xf32, #tpu.memory_space<vmem>> -> memref<128x128xf32, #tpu.memory_space<vmem>>
      %dma_wait3A_308 = arith.constant 0 : i32
      %dma_wait3A_309 = arith.constant 0 : i32
      %dma_wait3A_310 = tpu.memref_slice %arg2[%dma_wait3A_308, %dma_wait3A_309] : memref<100000x128xf32, #tpu.memory_space<hbm>> -> memref<128x128xf32, #tpu.memory_space<hbm>>
      tpu.wait_dma2 semaphore(%arg14 : memref<!tpu.dma_semaphore, #tpu.memory_space<semaphore_mem>>) src(%dma_wait3A_310 : memref<128x128xf32, #tpu.memory_space<hbm>>) dst(%dma_wait3A_307 : memref<128x128xf32, #tpu.memory_space<vmem>>)
      %mul3A_311 = arith.constant 2 : i32
      %mul3A_312 = arith.muli %add3A_280, %mul3A_311 : i32
      %dma_start3A_313 = arith.constant 0 : i32
      %dma_start3A_314 = arith.constant 0 : i32
      %dma_start3A_315 = tpu.memref_slice %arg4[%add3A, %mul3A_312, %dma_start3A_313, %dma_start3A_314] : memref<32x200x128x128xf32, #tpu.memory_space<hbm>> -> memref<1x2x128x128xf32, #tpu.memory_space<hbm>>
      %dma_start3A_316 = tpu.memref_squeeze %dma_start3A_315 : memref<1x2x128x128xf32, #tpu.memory_space<hbm>> -> memref<2x128x128xf32, #tpu.memory_space<hbm>>
      %dma_start3A_317 = arith.constant 0 : i32
      %dma_start3A_318 = arith.constant 0 : i32
      %dma_start3A_319 = tpu.memref_slice %arg4[%add3A, %mul3A_312, %dma_start3A_317, %dma_start3A_318] : memref<32x200x128x128xf32, #tpu.memory_space<hbm>> -> memref<1x2x128x128xf32, #tpu.memory_space<hbm>>
      %dma_start3A_320 = tpu.memref_squeeze %dma_start3A_319 : memref<1x2x128x128xf32, #tpu.memory_space<hbm>> -> memref<2x128x128xf32, #tpu.memory_space<hbm>>
      tpu.enqueue_dma source(%arg8 : memref<2x128x128xf32, #tpu.memory_space<vmem>>) target(%dma_start3A_320 : memref<2x128x128xf32, #tpu.memory_space<hbm>>) target_semaphore(%arg17 : memref<!tpu.dma_semaphore, #tpu.memory_space<semaphore_mem>>)
      %dma_wait3A_321 = arith.constant 0 : i32
      %dma_wait3A_322 = arith.constant 0 : i32
      %dma_wait3A_323 = arith.constant 0 : i32
      %dma_wait3A_324 = arith.constant 0 : i32
      %dma_wait3A_325 = tpu.memref_slice %arg4[%dma_wait3A_321, %dma_wait3A_322, %dma_wait3A_323, %dma_wait3A_324] : memref<32x200x128x128xf32, #tpu.memory_space<hbm>> -> memref<1x2x128x128xf32, #tpu.memory_space<hbm>>
      %dma_wait3A_326 = tpu.memref_squeeze %dma_wait3A_325 : memref<1x2x128x128xf32, #tpu.memory_space<hbm>> -> memref<2x128x128xf32, #tpu.memory_space<hbm>>
      %dma_wait3A_327 = arith.constant 0 : i32
      %dma_wait3A_328 = arith.constant 0 : i32
      %dma_wait3A_329 = arith.constant 0 : i32
      %dma_wait3A_330 = tpu.memref_slice %arg4[%dma_wait3A_321, %dma_wait3A_327, %dma_wait3A_328, %dma_wait3A_329] : memref<32x200x128x128xf32, #tpu.memory_space<hbm>> -> memref<1x2x128x128xf32, #tpu.memory_space<hbm>>
      %dma_wait3A_331 = tpu.memref_squeeze %dma_wait3A_330 : memref<1x2x128x128xf32, #tpu.memory_space<hbm>> -> memref<2x128x128xf32, #tpu.memory_space<hbm>>
      tpu.wait_dma2 semaphore(%arg16 : memref<!tpu.dma_semaphore, #tpu.memory_space<semaphore_mem>>) src(%arg7 : memref<2x128x128xf32, #tpu.memory_space<vmem>>) dst(%dma_wait3A_331 : memref<2x128x128xf32, #tpu.memory_space<hbm>>)
      %add3A_332 = arith.constant 3 : i32
      %add3A_333 = arith.addi %add3A_280, %add3A_332 : i32
      %sub3A_334 = arith.constant 1 : i32
      %sub3A_335 = arith.subi %add3A_333, %sub3A_334 : i32
      %min3A_336 = arith.constant 99 : i32
      %min3A_337 = arith.minsi %sub3A_335, %min3A_336 : i32
      %mul3A_338 = arith.constant 2 : i32
      %mul3A_339 = arith.muli %min3A_337, %mul3A_338 : i32
      %add3A_340 = arith.constant 0 : i32
      %add3A_341 = arith.addi %mul3A_339, %add3A_340 : i32
      %dma_start3A_342 = arith.constant 0 : i32
      %dma_start3A_343 = arith.constant 0 : i32
      %dma_start3A_344 = arith.constant 0 : i32
      %dma_start3A_345 = tpu.memref_slice %arg7[%dma_start3A_342, %dma_start3A_343, %dma_start3A_344] : memref<2x128x128xf32, #tpu.memory_space<vmem>> -> memref<1x128x128xf32, #tpu.memory_space<vmem>>
      %dma_start3A_346 = tpu.memref_squeeze %dma_start3A_345 : memref<1x128x128xf32, #tpu.memory_space<vmem>> -> memref<128x128xf32, #tpu.memory_space<vmem>>
      %dma_start3A_347 = arith.constant 0 : i32
      %dma_start3A_348 = tpu.memref_slice %arg5[%add3A_341, %dma_start3A_347] : memref<200x128xi32, #tpu.memory_space<vmem>> -> memref<1x128xi32, #tpu.memory_space<vmem>>
      %dma_start3A_349 = tpu.memref_squeeze %dma_start3A_348 : memref<1x128xi32, #tpu.memory_space<vmem>> -> memref<128xi32, #tpu.memory_space<vmem>>
      %dma_start3A_350 = arith.constant 0 : i32
      %dma_start3A_351 = arith.constant 0 : i32
      %dma_start3A_352 = tpu.memref_slice %arg2[%dma_start3A_350, %dma_start3A_351] : memref<100000x128xf32, #tpu.memory_space<hbm>> -> memref<100000x128xf32, #tpu.memory_space<hbm>>
      tpu.enqueue_indirect_dma source(%dma_start3A_352 : memref<100000x128xf32, #tpu.memory_space<hbm>>) target(%dma_start3A_346 : memref<128x128xf32, #tpu.memory_space<vmem>>) offsets(%dma_start3A_349 : memref<128xi32, #tpu.memory_space<vmem>>) semaphore(%arg11 : memref<!tpu.dma_semaphore, #tpu.memory_space<semaphore_mem>>)
      %mul3A_353 = arith.constant 2 : i32
      %mul3A_354 = arith.muli %min3A_337, %mul3A_353 : i32
      %add3A_355 = arith.constant 1 : i32
      %add3A_356 = arith.addi %mul3A_354, %add3A_355 : i32
      %dma_start3A_357 = arith.constant 1 : i32
      %dma_start3A_358 = arith.constant 0 : i32
      %dma_start3A_359 = arith.constant 0 : i32
      %dma_start3A_360 = tpu.memref_slice %arg7[%dma_start3A_357, %dma_start3A_358, %dma_start3A_359] : memref<2x128x128xf32, #tpu.memory_space<vmem>> -> memref<1x128x128xf32, #tpu.memory_space<vmem>>
      %dma_start3A_361 = tpu.memref_squeeze %dma_start3A_360 : memref<1x128x128xf32, #tpu.memory_space<vmem>> -> memref<128x128xf32, #tpu.memory_space<vmem>>
      %dma_start3A_362 = arith.constant 0 : i32
      %dma_start3A_363 = tpu.memref_slice %arg5[%add3A_356, %dma_start3A_362] : memref<200x128xi32, #tpu.memory_space<vmem>> -> memref<1x128xi32, #tpu.memory_space<vmem>>
      %dma_start3A_364 = tpu.memref_squeeze %dma_start3A_363 : memref<1x128xi32, #tpu.memory_space<vmem>> -> memref<128xi32, #tpu.memory_space<vmem>>
      %dma_start3A_365 = arith.constant 0 : i32
      %dma_start3A_366 = arith.constant 0 : i32
      %dma_start3A_367 = tpu.memref_slice %arg2[%dma_start3A_365, %dma_start3A_366] : memref<100000x128xf32, #tpu.memory_space<hbm>> -> memref<100000x128xf32, #tpu.memory_space<hbm>>
      tpu.enqueue_indirect_dma source(%dma_start3A_367 : memref<100000x128xf32, #tpu.memory_space<hbm>>) target(%dma_start3A_361 : memref<128x128xf32, #tpu.memory_space<vmem>>) offsets(%dma_start3A_364 : memref<128xi32, #tpu.memory_space<vmem>>) semaphore(%arg12 : memref<!tpu.dma_semaphore, #tpu.memory_space<semaphore_mem>>)
      %add3A_368 = arith.constant 2 : i32
      %add3A_369 = arith.addi %add3A_191, %add3A_368 : i32
      %dma_wait3A_370 = arith.constant 0 : i32
      %dma_wait3A_371 = arith.constant 0 : i32
      %dma_wait3A_372 = arith.constant 0 : i32
      %dma_wait3A_373 = tpu.memref_slice %arg6[%dma_wait3A_370, %dma_wait3A_371, %dma_wait3A_372] : memref<2x128x128xf32, #tpu.memory_space<vmem>> -> memref<1x128x128xf32, #tpu.memory_space<vmem>>
      %dma_wait3A_374 = tpu.memref_squeeze %dma_wait3A_373 : memref<1x128x128xf32, #tpu.memory_space<vmem>> -> memref<128x128xf32, #tpu.memory_space<vmem>>
      %dma_wait3A_375 = arith.constant 0 : i32
      %dma_wait3A_376 = arith.constant 0 : i32
      %dma_wait3A_377 = tpu.memref_slice %arg2[%dma_wait3A_375, %dma_wait3A_376] : memref<100000x128xf32, #tpu.memory_space<hbm>> -> memref<128x128xf32, #tpu.memory_space<hbm>>
      %dma_wait3A_378 = arith.constant 0 : i32
      %dma_wait3A_379 = arith.constant 0 : i32
      %dma_wait3A_380 = tpu.memref_slice %arg6[%dma_wait3A_370, %dma_wait3A_378, %dma_wait3A_379] : memref<2x128x128xf32, #tpu.memory_space<vmem>> -> memref<1x128x128xf32, #tpu.memory_space<vmem>>
      %dma_wait3A_381 = tpu.memref_squeeze %dma_wait3A_380 : memref<1x128x128xf32, #tpu.memory_space<vmem>> -> memref<128x128xf32, #tpu.memory_space<vmem>>
      %dma_wait3A_382 = arith.constant 0 : i32
      %dma_wait3A_383 = arith.constant 0 : i32
      %dma_wait3A_384 = tpu.memref_slice %arg2[%dma_wait3A_382, %dma_wait3A_383] : memref<100000x128xf32, #tpu.memory_space<hbm>> -> memref<128x128xf32, #tpu.memory_space<hbm>>
      tpu.wait_dma2 semaphore(%arg9 : memref<!tpu.dma_semaphore, #tpu.memory_space<semaphore_mem>>) src(%dma_wait3A_384 : memref<128x128xf32, #tpu.memory_space<hbm>>) dst(%dma_wait3A_381 : memref<128x128xf32, #tpu.memory_space<vmem>>)
      %dma_wait3A_385 = arith.constant 1 : i32
      %dma_wait3A_386 = arith.constant 0 : i32
      %dma_wait3A_387 = arith.constant 0 : i32
      %dma_wait3A_388 = tpu.memref_slice %arg6[%dma_wait3A_385, %dma_wait3A_386, %dma_wait3A_387] : memref<2x128x128xf32, #tpu.memory_space<vmem>> -> memref<1x128x128xf32, #tpu.memory_space<vmem>>
      %dma_wait3A_389 = tpu.memref_squeeze %dma_wait3A_388 : memref<1x128x128xf32, #tpu.memory_space<vmem>> -> memref<128x128xf32, #tpu.memory_space<vmem>>
      %dma_wait3A_390 = arith.constant 0 : i32
      %dma_wait3A_391 = arith.constant 0 : i32
      %dma_wait3A_392 = tpu.memref_slice %arg2[%dma_wait3A_390, %dma_wait3A_391] : memref<100000x128xf32, #tpu.memory_space<hbm>> -> memref<128x128xf32, #tpu.memory_space<hbm>>
      %dma_wait3A_393 = arith.constant 0 : i32
      %dma_wait3A_394 = arith.constant 0 : i32
      %dma_wait3A_395 = tpu.memref_slice %arg6[%dma_wait3A_385, %dma_wait3A_393, %dma_wait3A_394] : memref<2x128x128xf32, #tpu.memory_space<vmem>> -> memref<1x128x128xf32, #tpu.memory_space<vmem>>
      %dma_wait3A_396 = tpu.memref_squeeze %dma_wait3A_395 : memref<1x128x128xf32, #tpu.memory_space<vmem>> -> memref<128x128xf32, #tpu.memory_space<vmem>>
      %dma_wait3A_397 = arith.constant 0 : i32
      %dma_wait3A_398 = arith.constant 0 : i32
      %dma_wait3A_399 = tpu.memref_slice %arg2[%dma_wait3A_397, %dma_wait3A_398] : memref<100000x128xf32, #tpu.memory_space<hbm>> -> memref<128x128xf32, #tpu.memory_space<hbm>>
      tpu.wait_dma2 semaphore(%arg10 : memref<!tpu.dma_semaphore, #tpu.memory_space<semaphore_mem>>) src(%dma_wait3A_399 : memref<128x128xf32, #tpu.memory_space<hbm>>) dst(%dma_wait3A_396 : memref<128x128xf32, #tpu.memory_space<vmem>>)
      %mul3A_400 = arith.constant 2 : i32
      %mul3A_401 = arith.muli %add3A_369, %mul3A_400 : i32
      %dma_start3A_402 = arith.constant 0 : i32
      %dma_start3A_403 = arith.constant 0 : i32
      %dma_start3A_404 = tpu.memref_slice %arg4[%add3A, %mul3A_401, %dma_start3A_402, %dma_start3A_403] : memref<32x200x128x128xf32, #tpu.memory_space<hbm>> -> memref<1x2x128x128xf32, #tpu.memory_space<hbm>>
      %dma_start3A_405 = tpu.memref_squeeze %dma_start3A_404 : memref<1x2x128x128xf32, #tpu.memory_space<hbm>> -> memref<2x128x128xf32, #tpu.memory_space<hbm>>
      %dma_start3A_406 = arith.constant 0 : i32
      %dma_start3A_407 = arith.constant 0 : i32
      %dma_start3A_408 = tpu.memref_slice %arg4[%add3A, %mul3A_401, %dma_start3A_406, %dma_start3A_407] : memref<32x200x128x128xf32, #tpu.memory_space<hbm>> -> memref<1x2x128x128xf32, #tpu.memory_space<hbm>>
      %dma_start3A_409 = tpu.memref_squeeze %dma_start3A_408 : memref<1x2x128x128xf32, #tpu.memory_space<hbm>> -> memref<2x128x128xf32, #tpu.memory_space<hbm>>
      tpu.enqueue_dma source(%arg6 : memref<2x128x128xf32, #tpu.memory_space<vmem>>) target(%dma_start3A_409 : memref<2x128x128xf32, #tpu.memory_space<hbm>>) target_semaphore(%arg15 : memref<!tpu.dma_semaphore, #tpu.memory_space<semaphore_mem>>)
      %dma_wait3A_410 = arith.constant 0 : i32
      %dma_wait3A_411 = arith.constant 0 : i32
      %dma_wait3A_412 = arith.constant 0 : i32
      %dma_wait3A_413 = arith.constant 0 : i32
      %dma_wait3A_414 = tpu.memref_slice %arg4[%dma_wait3A_410, %dma_wait3A_411, %dma_wait3A_412, %dma_wait3A_413] : memref<32x200x128x128xf32, #tpu.memory_space<hbm>> -> memref<1x2x128x128xf32, #tpu.memory_space<hbm>>
      %dma_wait3A_415 = tpu.memref_squeeze %dma_wait3A_414 : memref<1x2x128x128xf32, #tpu.memory_space<hbm>> -> memref<2x128x128xf32, #tpu.memory_space<hbm>>
      %dma_wait3A_416 = arith.constant 0 : i32
      %dma_wait3A_417 = arith.constant 0 : i32
      %dma_wait3A_418 = arith.constant 0 : i32
      %dma_wait3A_419 = tpu.memref_slice %arg4[%dma_wait3A_410, %dma_wait3A_416, %dma_wait3A_417, %dma_wait3A_418] : memref<32x200x128x128xf32, #tpu.memory_space<hbm>> -> memref<1x2x128x128xf32, #tpu.memory_space<hbm>>
      %dma_wait3A_420 = tpu.memref_squeeze %dma_wait3A_419 : memref<1x2x128x128xf32, #tpu.memory_space<hbm>> -> memref<2x128x128xf32, #tpu.memory_space<hbm>>
      tpu.wait_dma2 semaphore(%arg17 : memref<!tpu.dma_semaphore, #tpu.memory_space<semaphore_mem>>) src(%arg8 : memref<2x128x128xf32, #tpu.memory_space<vmem>>) dst(%dma_wait3A_420 : memref<2x128x128xf32, #tpu.memory_space<hbm>>)
      %add3A_421 = arith.constant 3 : i32
      %add3A_422 = arith.addi %add3A_369, %add3A_421 : i32
      %sub3A_423 = arith.constant 1 : i32
      %sub3A_424 = arith.subi %add3A_422, %sub3A_423 : i32
      %min3A_425 = arith.constant 99 : i32
      %min3A_426 = arith.minsi %sub3A_424, %min3A_425 : i32
      %mul3A_427 = arith.constant 2 : i32
      %mul3A_428 = arith.muli %min3A_426, %mul3A_427 : i32
      %add3A_429 = arith.constant 0 : i32
      %add3A_430 = arith.addi %mul3A_428, %add3A_429 : i32
      %dma_start3A_431 = arith.constant 0 : i32
      %dma_start3A_432 = arith.constant 0 : i32
      %dma_start3A_433 = arith.constant 0 : i32
      %dma_start3A_434 = tpu.memref_slice %arg8[%dma_start3A_431, %dma_start3A_432, %dma_start3A_433] : memref<2x128x128xf32, #tpu.memory_space<vmem>> -> memref<1x128x128xf32, #tpu.memory_space<vmem>>
      %dma_start3A_435 = tpu.memref_squeeze %dma_start3A_434 : memref<1x128x128xf32, #tpu.memory_space<vmem>> -> memref<128x128xf32, #tpu.memory_space<vmem>>
      %dma_start3A_436 = arith.constant 0 : i32
      %dma_start3A_437 = tpu.memref_slice %arg5[%add3A_430, %dma_start3A_436] : memref<200x128xi32, #tpu.memory_space<vmem>> -> memref<1x128xi32, #tpu.memory_space<vmem>>
      %dma_start3A_438 = tpu.memref_squeeze %dma_start3A_437 : memref<1x128xi32, #tpu.memory_space<vmem>> -> memref<128xi32, #tpu.memory_space<vmem>>
      %dma_start3A_439 = arith.constant 0 : i32
      %dma_start3A_440 = arith.constant 0 : i32
      %dma_start3A_441 = tpu.memref_slice %arg2[%dma_start3A_439, %dma_start3A_440] : memref<100000x128xf32, #tpu.memory_space<hbm>> -> memref<100000x128xf32, #tpu.memory_space<hbm>>
      tpu.enqueue_indirect_dma source(%dma_start3A_441 : memref<100000x128xf32, #tpu.memory_space<hbm>>) target(%dma_start3A_435 : memref<128x128xf32, #tpu.memory_space<vmem>>) offsets(%dma_start3A_438 : memref<128xi32, #tpu.memory_space<vmem>>) semaphore(%arg13 : memref<!tpu.dma_semaphore, #tpu.memory_space<semaphore_mem>>)
      %mul3A_442 = arith.constant 2 : i32
      %mul3A_443 = arith.muli %min3A_426, %mul3A_442 : i32
      %add3A_444 = arith.constant 1 : i32
      %add3A_445 = arith.addi %mul3A_443, %add3A_444 : i32
      %dma_start3A_446 = arith.constant 1 : i32
      %dma_start3A_447 = arith.constant 0 : i32
      %dma_start3A_448 = arith.constant 0 : i32
      %dma_start3A_449 = tpu.memref_slice %arg8[%dma_start3A_446, %dma_start3A_447, %dma_start3A_448] : memref<2x128x128xf32, #tpu.memory_space<vmem>> -> memref<1x128x128xf32, #tpu.memory_space<vmem>>
      %dma_start3A_450 = tpu.memref_squeeze %dma_start3A_449 : memref<1x128x128xf32, #tpu.memory_space<vmem>> -> memref<128x128xf32, #tpu.memory_space<vmem>>
      %dma_start3A_451 = arith.constant 0 : i32
      %dma_start3A_452 = tpu.memref_slice %arg5[%add3A_445, %dma_start3A_451] : memref<200x128xi32, #tpu.memory_space<vmem>> -> memref<1x128xi32, #tpu.memory_space<vmem>>
      %dma_start3A_453 = tpu.memref_squeeze %dma_start3A_452 : memref<1x128xi32, #tpu.memory_space<vmem>> -> memref<128xi32, #tpu.memory_space<vmem>>
      %dma_start3A_454 = arith.constant 0 : i32
      %dma_start3A_455 = arith.constant 0 : i32
      %dma_start3A_456 = tpu.memref_slice %arg2[%dma_start3A_454, %dma_start3A_455] : memref<100000x128xf32, #tpu.memory_space<hbm>> -> memref<100000x128xf32, #tpu.memory_space<hbm>>
      tpu.enqueue_indirect_dma source(%dma_start3A_456 : memref<100000x128xf32, #tpu.memory_space<hbm>>) target(%dma_start3A_450 : memref<128x128xf32, #tpu.memory_space<vmem>>) offsets(%dma_start3A_453 : memref<128xi32, #tpu.memory_space<vmem>>) semaphore(%arg14 : memref<!tpu.dma_semaphore, #tpu.memory_space<semaphore_mem>>)
    }
    %scan3A_115 = arith.constant 33 : i32
    %dma_wait3A_116 = arith.constant 0 : i32
    %dma_wait3A_117 = arith.constant 0 : i32
    %dma_wait3A_118 = arith.constant 0 : i32
    %dma_wait3A_119 = arith.constant 0 : i32
    %dma_wait3A_120 = tpu.memref_slice %arg4[%dma_wait3A_116, %dma_wait3A_117, %dma_wait3A_118, %dma_wait3A_119] : memref<32x200x128x128xf32, #tpu.memory_space<hbm>> -> memref<1x2x128x128xf32, #tpu.memory_space<hbm>>
    %dma_wait3A_121 = tpu.memref_squeeze %dma_wait3A_120 : memref<1x2x128x128xf32, #tpu.memory_space<hbm>> -> memref<2x128x128xf32, #tpu.memory_space<hbm>>
    %dma_wait3A_122 = arith.constant 0 : i32
    %dma_wait3A_123 = arith.constant 0 : i32
    %dma_wait3A_124 = arith.constant 0 : i32
    %dma_wait3A_125 = tpu.memref_slice %arg4[%dma_wait3A_116, %dma_wait3A_122, %dma_wait3A_123, %dma_wait3A_124] : memref<32x200x128x128xf32, #tpu.memory_space<hbm>> -> memref<1x2x128x128xf32, #tpu.memory_space<hbm>>
    %dma_wait3A_126 = tpu.memref_squeeze %dma_wait3A_125 : memref<1x2x128x128xf32, #tpu.memory_space<hbm>> -> memref<2x128x128xf32, #tpu.memory_space<hbm>>
    tpu.wait_dma2 semaphore(%arg15 : memref<!tpu.dma_semaphore, #tpu.memory_space<semaphore_mem>>) src(%arg6 : memref<2x128x128xf32, #tpu.memory_space<vmem>>) dst(%dma_wait3A_126 : memref<2x128x128xf32, #tpu.memory_space<hbm>>)
    %dma_wait3A_127 = arith.constant 0 : i32
    %dma_wait3A_128 = arith.constant 0 : i32
    %dma_wait3A_129 = arith.constant 0 : i32
    %dma_wait3A_130 = tpu.memref_slice %arg7[%dma_wait3A_127, %dma_wait3A_128, %dma_wait3A_129] : memref<2x128x128xf32, #tpu.memory_space<vmem>> -> memref<1x128x128xf32, #tpu.memory_space<vmem>>
    %dma_wait3A_131 = tpu.memref_squeeze %dma_wait3A_130 : memref<1x128x128xf32, #tpu.memory_space<vmem>> -> memref<128x128xf32, #tpu.memory_space<vmem>>
    %dma_wait3A_132 = arith.constant 0 : i32
    %dma_wait3A_133 = arith.constant 0 : i32
    %dma_wait3A_134 = tpu.memref_slice %arg2[%dma_wait3A_132, %dma_wait3A_133] : memref<100000x128xf32, #tpu.memory_space<hbm>> -> memref<128x128xf32, #tpu.memory_space<hbm>>
    %dma_wait3A_135 = arith.constant 0 : i32
    %dma_wait3A_136 = arith.constant 0 : i32
    %dma_wait3A_137 = tpu.memref_slice %arg7[%dma_wait3A_127, %dma_wait3A_135, %dma_wait3A_136] : memref<2x128x128xf32, #tpu.memory_space<vmem>> -> memref<1x128x128xf32, #tpu.memory_space<vmem>>
    %dma_wait3A_138 = tpu.memref_squeeze %dma_wait3A_137 : memref<1x128x128xf32, #tpu.memory_space<vmem>> -> memref<128x128xf32, #tpu.memory_space<vmem>>
    %dma_wait3A_139 = arith.constant 0 : i32
    %dma_wait3A_140 = arith.constant 0 : i32
    %dma_wait3A_141 = tpu.memref_slice %arg2[%dma_wait3A_139, %dma_wait3A_140] : memref<100000x128xf32, #tpu.memory_space<hbm>> -> memref<128x128xf32, #tpu.memory_space<hbm>>
    tpu.wait_dma2 semaphore(%arg11 : memref<!tpu.dma_semaphore, #tpu.memory_space<semaphore_mem>>) src(%dma_wait3A_141 : memref<128x128xf32, #tpu.memory_space<hbm>>) dst(%dma_wait3A_138 : memref<128x128xf32, #tpu.memory_space<vmem>>)
    %dma_wait3A_142 = arith.constant 1 : i32
    %dma_wait3A_143 = arith.constant 0 : i32
    %dma_wait3A_144 = arith.constant 0 : i32
    %dma_wait3A_145 = tpu.memref_slice %arg7[%dma_wait3A_142, %dma_wait3A_143, %dma_wait3A_144] : memref<2x128x128xf32, #tpu.memory_space<vmem>> -> memref<1x128x128xf32, #tpu.memory_space<vmem>>
    %dma_wait3A_146 = tpu.memref_squeeze %dma_wait3A_145 : memref<1x128x128xf32, #tpu.memory_space<vmem>> -> memref<128x128xf32, #tpu.memory_space<vmem>>
    %dma_wait3A_147 = arith.constant 0 : i32
    %dma_wait3A_148 = arith.constant 0 : i32
    %dma_wait3A_149 = tpu.memref_slice %arg2[%dma_wait3A_147, %dma_wait3A_148] : memref<100000x128xf32, #tpu.memory_space<hbm>> -> memref<128x128xf32, #tpu.memory_space<hbm>>
    %dma_wait3A_150 = arith.constant 0 : i32
    %dma_wait3A_151 = arith.constant 0 : i32
    %dma_wait3A_152 = tpu.memref_slice %arg7[%dma_wait3A_142, %dma_wait3A_150, %dma_wait3A_151] : memref<2x128x128xf32, #tpu.memory_space<vmem>> -> memref<1x128x128xf32, #tpu.memory_space<vmem>>
    %dma_wait3A_153 = tpu.memref_squeeze %dma_wait3A_152 : memref<1x128x128xf32, #tpu.memory_space<vmem>> -> memref<128x128xf32, #tpu.memory_space<vmem>>
    %dma_wait3A_154 = arith.constant 0 : i32
    %dma_wait3A_155 = arith.constant 0 : i32
    %dma_wait3A_156 = tpu.memref_slice %arg2[%dma_wait3A_154, %dma_wait3A_155] : memref<100000x128xf32, #tpu.memory_space<hbm>> -> memref<128x128xf32, #tpu.memory_space<hbm>>
    tpu.wait_dma2 semaphore(%arg12 : memref<!tpu.dma_semaphore, #tpu.memory_space<semaphore_mem>>) src(%dma_wait3A_156 : memref<128x128xf32, #tpu.memory_space<hbm>>) dst(%dma_wait3A_153 : memref<128x128xf32, #tpu.memory_space<vmem>>)
    %dma_wait3A_157 = arith.constant 0 : i32
    %dma_wait3A_158 = arith.constant 0 : i32
    %dma_wait3A_159 = arith.constant 0 : i32
    %dma_wait3A_160 = tpu.memref_slice %arg8[%dma_wait3A_157, %dma_wait3A_158, %dma_wait3A_159] : memref<2x128x128xf32, #tpu.memory_space<vmem>> -> memref<1x128x128xf32, #tpu.memory_space<vmem>>
    %dma_wait3A_161 = tpu.memref_squeeze %dma_wait3A_160 : memref<1x128x128xf32, #tpu.memory_space<vmem>> -> memref<128x128xf32, #tpu.memory_space<vmem>>
    %dma_wait3A_162 = arith.constant 0 : i32
    %dma_wait3A_163 = arith.constant 0 : i32
    %dma_wait3A_164 = tpu.memref_slice %arg2[%dma_wait3A_162, %dma_wait3A_163] : memref<100000x128xf32, #tpu.memory_space<hbm>> -> memref<128x128xf32, #tpu.memory_space<hbm>>
    %dma_wait3A_165 = arith.constant 0 : i32
    %dma_wait3A_166 = arith.constant 0 : i32
    %dma_wait3A_167 = tpu.memref_slice %arg8[%dma_wait3A_157, %dma_wait3A_165, %dma_wait3A_166] : memref<2x128x128xf32, #tpu.memory_space<vmem>> -> memref<1x128x128xf32, #tpu.memory_space<vmem>>
    %dma_wait3A_168 = tpu.memref_squeeze %dma_wait3A_167 : memref<1x128x128xf32, #tpu.memory_space<vmem>> -> memref<128x128xf32, #tpu.memory_space<vmem>>
    %dma_wait3A_169 = arith.constant 0 : i32
    %dma_wait3A_170 = arith.constant 0 : i32
    %dma_wait3A_171 = tpu.memref_slice %arg2[%dma_wait3A_169, %dma_wait3A_170] : memref<100000x128xf32, #tpu.memory_space<hbm>> -> memref<128x128xf32, #tpu.memory_space<hbm>>
    tpu.wait_dma2 semaphore(%arg13 : memref<!tpu.dma_semaphore, #tpu.memory_space<semaphore_mem>>) src(%dma_wait3A_171 : memref<128x128xf32, #tpu.memory_space<hbm>>) dst(%dma_wait3A_168 : memref<128x128xf32, #tpu.memory_space<vmem>>)
    %dma_wait3A_172 = arith.constant 1 : i32
    %dma_wait3A_173 = arith.constant 0 : i32
    %dma_wait3A_174 = arith.constant 0 : i32
    %dma_wait3A_175 = tpu.memref_slice %arg8[%dma_wait3A_172, %dma_wait3A_173, %dma_wait3A_174] : memref<2x128x128xf32, #tpu.memory_space<vmem>> -> memref<1x128x128xf32, #tpu.memory_space<vmem>>
    %dma_wait3A_176 = tpu.memref_squeeze %dma_wait3A_175 : memref<1x128x128xf32, #tpu.memory_space<vmem>> -> memref<128x128xf32, #tpu.memory_space<vmem>>
    %dma_wait3A_177 = arith.constant 0 : i32
    %dma_wait3A_178 = arith.constant 0 : i32
    %dma_wait3A_179 = tpu.memref_slice %arg2[%dma_wait3A_177, %dma_wait3A_178] : memref<100000x128xf32, #tpu.memory_space<hbm>> -> memref<128x128xf32, #tpu.memory_space<hbm>>
    %dma_wait3A_180 = arith.constant 0 : i32
    %dma_wait3A_181 = arith.constant 0 : i32
    %dma_wait3A_182 = tpu.memref_slice %arg8[%dma_wait3A_172, %dma_wait3A_180, %dma_wait3A_181] : memref<2x128x128xf32, #tpu.memory_space<vmem>> -> memref<1x128x128xf32, #tpu.memory_space<vmem>>
    %dma_wait3A_183 = tpu.memref_squeeze %dma_wait3A_182 : memref<1x128x128xf32, #tpu.memory_space<vmem>> -> memref<128x128xf32, #tpu.memory_space<vmem>>
    %dma_wait3A_184 = arith.constant 0 : i32
    %dma_wait3A_185 = arith.constant 0 : i32
    %dma_wait3A_186 = tpu.memref_slice %arg2[%dma_wait3A_184, %dma_wait3A_185] : memref<100000x128xf32, #tpu.memory_space<hbm>> -> memref<128x128xf32, #tpu.memory_space<hbm>>
    tpu.wait_dma2 semaphore(%arg14 : memref<!tpu.dma_semaphore, #tpu.memory_space<semaphore_mem>>) src(%dma_wait3A_186 : memref<128x128xf32, #tpu.memory_space<hbm>>) dst(%dma_wait3A_183 : memref<128x128xf32, #tpu.memory_space<vmem>>)
    return
  }
}

module attributes {stable_mosaic.version = 14 : i64} {
  func.func @_table_body(%arg0: i32, %arg1: memref<16x16384xf32, #tpu.memory_space<vmem>>, %arg2: memref<128x16xf32, #tpu.memory_space<vmem>>, %arg3: memref<16384x128xf32, #tpu.memory_space<vmem>>) attributes {dimension_semantics = [#tpu.dimension_semantics<arbitrary>], iteration_bounds = array<i64: 7>, scalar_prefetch = 0 : i64, scratch_operands = 0 : i64, tpu.core_type = #tpu.core_type<tc>, window_params = [{transform_indices = @transform_0, window_bounds = array<i64: 16, 16384>}, {pipeline_mode = #tpu.pipeline_mode<synchronous>, transform_indices = @transform_1, window_bounds = array<i64: 128, 16>}, {transform_indices = @transform_2, window_bounds = array<i64: 16384, 128>}]} {
    %get3A = arith.constant 0 : index
    %get3A_0 = arith.constant 0 : index
    %get3A_1 = vector.load %arg1[%get3A, %get3A_0] : memref<16x16384xf32, #tpu.memory_space<vmem>>, vector<16x16384xf32>
    %get3A_2 = arith.constant 0 : index
    %get3A_3 = arith.constant 0 : index
    %get3A_4 = vector.load %arg2[%get3A_2, %get3A_3] : memref<128x16xf32, #tpu.memory_space<vmem>>, vector<128x16xf32>
    %dot_general3A = arith.constant dense<0.000000e+00> : vector<16384x128xf32>
    %dot_general3A_5 = tpu.matmul %get3A_1, %get3A_4, %dot_general3A {dimension_numbers = #tpu.dot_dimension_numbers<[0], [1], [1], [0], [0, 1, 1, 0], [], []>, transpose_lhs_hint = false} : vector<16x16384xf32>, vector<128x16xf32>, vector<16384x128xf32> -> vector<16384x128xf32>
    %mul3A = arith.constant 1.000000e+00 : f32
    %mul3A_6 = vector.broadcast %mul3A : f32 to vector<16384x128xf32>
    %mul3A_7 = arith.mulf %dot_general3A_5, %mul3A_6 : vector<16384x128xf32>
    %swap3A = arith.constant 0 : index
    %swap3A_8 = arith.constant 0 : index
    %swap3A_9 = vector.load %arg3[%swap3A, %swap3A_8] : memref<16384x128xf32, #tpu.memory_space<vmem>>, vector<16384x128xf32>
    tpu.vector_store %arg3[%swap3A, %swap3A_8], %mul3A_7 {strides = array<i32>} : memref<16384x128xf32, #tpu.memory_space<vmem>>, vector<16384x128xf32>,
    return
  }
  func.func @transform_0(%arg0: i32) -> (i32, i32) {
    %c0_i32 = arith.constant 0 : i32
    %c0_i32_0 = arith.constant 0 : i32
    return %c0_i32, %arg0 : i32, i32
  }
  func.func @transform_1(%arg0: i32) -> (i32, i32) {
    %c0_i32 = arith.constant 0 : i32
    %c0_i32_0 = arith.constant 0 : i32
    %c0_i32_1 = arith.constant 0 : i32
    return %c0_i32, %c0_i32_0 : i32, i32
  }
  func.func @transform_2(%arg0: i32) -> (i32, i32) {
    %c0_i32 = arith.constant 0 : i32
    %c0_i32_0 = arith.constant 0 : i32
    return %arg0, %c0_i32 : i32, i32
  }
}

</mosaic_0001>

<sc_bundles>
// kernel: kernel.4.cloned.1.call-start
scs
__scs_entry_jumppad:
0x0: {  	(pc) =	sbr.rel $0x88, $3  }
0x1: {  	(tag) =	ssettag $0x0;
	lr =	simm.s32 $0x1  }
0x2: {  	[smem:$0x3F9E] =	sst lr;
	_ =	strace $0xD0000000  }
0x3: {  	_ = 	snop  }
0x4: {  	_ = 	snop  }
0x5: {  	_ = 	snop  }
0x6: {  	_ = 	snop  }
0x7: {  	_ = 	snop  }
__scs_overlays_trampoline_lowered:
0x8: {  	[smem:$0x3FAD] =	sst s0  }
0x9: {  	[smem:$0x3FAE] =	sst s1  }
0xa: {  	[smem:$0x3FAF] =	sst s2  }
0xb: {  	[smem:$0x3FB0] =	sst s3  }
0xc: {  	[smem:$0x3FB1] =	sst s4  }
0xd: {  	[smem:$0x3FB2] =	sst s5  }
0xe: {  	[smem:$0x3FB3] =	sst s6  }
0xf: {  	[smem:$0x3FB4] =	sst s7  }
0x10: {  	[smem:$0x3FB5] =	sst s8  }
0x11: {  	[smem:$0x3FB6] =	sst s9;
	s0 =	simm.s32 @!p0 $0x0  }
0x12: {  	s1 =	sld [smem:$0x3F9C];
	s0 =	simm.s32 @p0 $0x1  }
0x13: {  	[smem:$0x3FB7] =	sst s0;
	s0 =	simm.s32 @!p1 $0x0  }
0x14: {  	s2 =	sld [smem:$0x3F9B];
	s0 =	simm.s32 @p1 $0x1  }
0x15: {  	[smem:$0x3FB8] =	sst s0;
	s0 =	simm.s32 @!p2 $0x0  }
0x16: {  	s3 =	sld [smem:$0x3FDB];
	s0 =	simm.s32 @p2 $0x1  }
0x17: {  	s4 =	simm.s32 $0x1BF5;
	[smem:$0x3FBA] =	sst s0  }
0x18: {  	s0 =	sld [smem:$0x3F9D];
	_ =	swait.ge [sflag:s4], $0x0  }
0x19: {  	s7 =	sld [smem:$0x3F9E]  }
0x1a: {  	s8 =	sadd.s32 $0xFFFFE003, lr  }
0x1b: {  	s9 =	sadd.s32 $0xFFFFFEF7, lr;
	s5 =	simm.s32 $0xFFFFFFFF;
	p2 =	slt.u32 s8, $0xFFFFF086  }
0x1c: {  	p1 =	slt.u32 s9, $0xF7A;
	s5 =	simm.s32 @!p2 $0x0  }
0x1d: {  	s5 =	simm.s32 @p1 $0x1;
	p0 =	seq.s32 s7, s2  }
0x1e: {  	s7 =	smul.u32 @!p0 $0xF7A, s2;
	p2 =	seq.s32 @!p0 s5, $0x0  }
0x1f: {  	s9 =	smul.u32 $0xF7A, s1;
	s8 =	simm.s32 @!p0 $0x1BF5;
	p2 =	por !p2, p0  }
0x20: {  	[sflag:s8] =	ssyncset.s32 @!p0 $0xFFFFF086;
	s6 =	sadd.s32 @!p0 s3, s7;
	s7 =	simm.s32 @!p0 $0x108  }
0x21: {  	s3 =	sadd.s32 s3, s9;
	s6 =	sadd.s32 @!p0 $0x88, s6;
	s7 =	simm.s32 @p2 $0x1082  }
0x22: {  	[simem:s7], [sflag:s8] =	dma.local @!p0 [hbm:s6], $0xF7A  }
0x23: {  	s9 =	sor.u32 $0xD0000000, s2;
	s6 =	simm.s32 $0x108;
	_ =	swait.ge @!p0 [sflag:s8], $0x0  }
0x24: {  	s3 =	sadd.s32 $0x88, s3;
	s6 =	simm.s32 @!p1 $0x1082;
	[sflag:s4] =	ssyncset.s32 $0xFFFFF086  }
0x25: {  	[simem:s6], [sflag:s4] =	dma.local [hbm:s3], $0xF7A  }
0x26: {  	[smem:$0x3F9E] =	sst s1;
	(tag) =	ssettag s2;
	_ =	strace s9  }
0x27: {  	s1 =	sld [smem:$0x3FAE]  }
0x28: {  	s2 =	sld [smem:$0x3FAF]  }
0x29: {  	s4 =	sld [smem:$0x3FB1]  }
0x2a: {  	p0 =	seq.s32 s5, $0x0;
	s5 =	sld [smem:$0x3FB2]  }
0x2b: {  	s6 =	sld [smem:$0x3FB3]  }
0x2c: {  	s7 =	sld [smem:$0x3FB4]  }
0x2d: {  	s3 =	simm.s32 $0x108;
	s8 =	sld [smem:$0x3FB5]  }
0x2e: {  	s3 =	simm.s32 @!p0 $0x1082;
	s9 =	sld [smem:$0x3FB6]  }
0x2f: {  	lr =	sadd.s32 s0, s3;
	s0 =	sld [smem:$0x3FAD]  }
0x30: {  	s3 =	sld [smem:$0x3FB0]  }
0x31: {  	[smem:$0x3FB9] =	sst s10  }
0x32: {  	s10 =	sld [smem:$0x3FB7];
	_ =	sdelay $0x3  }
0x33: {  	p0 =	seq.s32 s10, $0x1;
	s10 =	sld [smem:$0x3FB9];
	_ =	sdelay $0x3  }
0x34: {  	[smem:$0x3FB9] =	sst s10  }
0x35: {  	s10 =	sld [smem:$0x3FB8];
	_ =	sdelay $0x3  }
0x36: {  	p1 =	seq.s32 s10, $0x1;
	s10 =	sld [smem:$0x3FB9];
	_ =	sdelay $0x3  }
0x37: {  	[smem:$0x3FB9] =	sst s10  }
0x38: {  	s10 =	sld [smem:$0x3FBA]  }
0x39: {  	_ = 	snop;
	(pc) =	sbr.ind lr, $3  }
0x3a: {  	_ = 	snop  }
0x3b: {  	_ = 	snop  }
0x3c: {  	p2 =	seq.s32 s10, $0x1;
	s10 =	sld [smem:$0x3FB9]  }
0x3d: {  	_ =	shalt  }
0x3e: {  	_ =	shalt  }
0x3f: {  	_ =	shalt  }
0x40: {  	_ =	shalt  }
0x41: {  	_ =	shalt  }
0x42: {  	_ =	shalt  }
0x43: {  	_ =	shalt  }
0x44: {  	_ =	shalt  }
0x45: {  	_ =	shalt  }
0x46: {  	_ =	shalt  }
0x47: {  	_ =	shalt  }
0x48: {  	_ =	shalt  }
0x49: {  	_ =	shalt  }
0x4a: {  	_ =	shalt  }
0x4b: {  	_ =	shalt  }
0x4c: {  	_ =	shalt  }
0x4d: {  	_ =	shalt  }
0x4e: {  	_ =	shalt  }
0x4f: {  	_ =	shalt  }
0x50: {  	_ =	shalt  }
0x51: {  	_ =	shalt  }
0x52: {  	_ =	shalt  }
0x53: {  	_ =	shalt  }
0x54: {  	_ =	shalt  }
0x55: {  	_ =	shalt  }
0x56: {  	_ =	shalt  }
0x57: {  	_ =	shalt  }
0x58: {  	_ =	shalt  }
0x59: {  	_ =	shalt  }
0x5a: {  	_ =	shalt  }
0x5b: {  	_ =	shalt  }
0x5c: {  	_ =	shalt  }
0x5d: {  	_ =	shalt  }
0x5e: {  	_ =	shalt  }
0x5f: {  	_ =	shalt  }
0x60: {  	_ =	shalt  }
0x61: {  	_ =	shalt  }
0x62: {  	_ =	shalt  }
0x63: {  	_ =	shalt  }
0x64: {  	_ =	shalt  }
0x65: {  	_ =	shalt  }
0x66: {  	_ =	shalt  }
0x67: {  	_ =	shalt  }
0x68: {  	_ =	shalt  }
0x69: {  	_ =	shalt  }
0x6a: {  	_ =	shalt  }
0x6b: {  	_ =	shalt  }
0x6c: {  	_ =	shalt  }
0x6d: {  	_ =	shalt  }
0x6e: {  	_ =	shalt  }
0x6f: {  	_ =	shalt  }
0x70: {  	_ =	shalt  }
0x71: {  	_ =	shalt  }
0x72: {  	_ =	shalt  }
0x73: {  	_ =	shalt  }
0x74: {  	_ =	shalt  }
0x75: {  	_ =	shalt  }
0x76: {  	_ =	shalt  }
0x77: {  	_ =	shalt  }
0x78: {  	_ =	shalt  }
0x79: {  	_ =	shalt  }
0x7a: {  	_ =	shalt  }
0x7b: {  	_ =	shalt  }
0x7c: {  	_ =	shalt  }
0x7d: {  	_ =	shalt  }
0x7e: {  	_ =	shalt  }
0x7f: {  	_ =	shalt  }
0x80: {  	_ =	shalt  }
0x81: {  	_ =	shalt  }
0x82: {  	_ =	shalt  }
0x83: {  	_ =	shalt  }
0x84: {  	_ =	shalt  }
0x85: {  	_ =	shalt  }
0x86: {  	_ =	shalt  }
0x87: {  	_ =	shalt  }
.Lfunc_end0:
.L_simem_size_0:
called_computation_lowered:
.L_overlay_start_0:
0x88: {  	s2 =	sld [smem:$0x3FD9]  }
0x89: {  	s3 =	sld [smem:$0x3FFE];
	_ =	sdelay $0x1  }
0x8a: {  	s1 =	srdreg.scid  }
0x8b: {  	s0 =	sand.u32 $0x1, s1  }
0x8c: {  	s17 =	sshll.u32 s0, $0xA;
	s2 =	sadd.s32 s3, s2  }
0x8d: {  	s2 =	sadd.s32 s2, s17  }
0x8e: {  	[smem:$0x3FC5] =	sst s2  }
0x8f: {  	_ = 	snop  }
0x90: {  	s2 =	sld [smem:$0x3FD0];
	(tm) =	ssettm $0x1  }
0x91: {  	s18 =	sld [smem:$0x3FFB];
	_ =	sdelay $0x3  }
0x92: {  	_ =	strace s18  }
0x93: {  	s3 =	sld [smem:$0x3FFC];
	_ =	sdelay $0x3  }
0x94: {  	_ =	strace s3  }
0x95: {  	s3 =	sld [smem:$0x3FFD];
	_ =	sdelay $0x3  }
0x96: {  	_ =	strace s3  }
0x97: {  	_ =	strace $0x8FFFFFFF  }
0x98: {  	s19 =	sld [smem:$0x3FDB];
	_ =	sdelay $0x1  }
0x99: {  	s4 =	simm.s32 $_scs_section_size  }
0x9a: {  	s5 =	simm.s32 $_size__tile_overlayer_lowered;
	s6 =	simm.s32 $_tile_overlayer_lowered  }
0x9b: {  	s22 =	simm.s32 $0x1BFF;
	s21 =	sshll.u32 s6, $0x1;
	s3 =	sadd.s32 s4, s19  }
0x9c: {  	s7 =	simm.s32 $0x0;
	s20 =	sshll.u32 s5, $0x1;
	s5 =	sadd.s32 s21, s3  }
0x9d: {  	[timem:s7], [sflag:s22] =	dma.local [hbm:s5], s20  }
0x9e: {  	_ =	swait.ge [sflag:s22], s20  }
0x9f: {  	s4 =	ssub.s32 $0x0, s20;
	[sflag:s22] =	ssyncset.done $0x0  }
0xa0: {  	[sflag:s22] =	ssyncadd.s32 s4;
	_ =	sdelay $0x1  }
0xa1: {  	s23 =	simm.s32 $0x1B8B  }
0xa2: {  	_ =	swait.ge [sflag:s23], $0x1  }
0xa3: {  	[sflag:s23] =	ssyncset.done $0x0  }
0xa4: {  	s25 =	simm.s32 $0x1B8E;
	s24 =	sld [smem:$0x3FFE];
	[sflag:s23] =	ssyncadd.s32 $0xFFFFFFFF  }
0xa5: {  	s26 =	simm.s32 $execute0_lowered;
	[smem:$0x3FD2] =	sst s25  }
0xa6: {  	s5 =	sshll.u32 s26, $0x1;
	_ =	strace $0x80000046;
	[dreg:$0x1] =	wrdreg $0xFFFFFFFF  }
0xa7: {  	s28 =	simm.s32 $_size_execute0_lowered;
	s3 =	sadd.s32 s3, s5;
	[dreg:$0x0] =	wrdreg $0x0  }
0xa8: {  	s5 =	sshll.u32 s28, $0x1;
	[dreg:$0x2] =	wrdreg s3  }
0xa9: {  	[dreg:$0x3] =	wrdreg s5  }
0xaa: {  	[dreg:$0x4] =	wrdreg $0xC0  }
0xab: {  	_ =	task [dreg:s7], $0x5FFFF  }
0xac: {  	[dreg:$0x1] =	wrdreg $0xFFFFFFFF  }
0xad: {  	[dreg:$0x0] =	wrdreg $0x60  }
0xae: {  	[dreg:$0x2] =	wrdreg s24  }
0xaf: {  	[dreg:$0x3] =	wrdreg s2  }
0xb0: {  	[dreg:$0x4] =	wrdreg $0x9  }
0xb1: {  	_ =	task.clear_ibuf [dreg:s7], $0x5FFFF;
	_ =	strace $0x90000046  }
0xb2: {  	s29 =	simm.s32 $0x9;
	_ =	strace $0x80000048  }
0xb3: {  	_ =	swait.ge [sflag:s29], $0x1  }
0xb4: {  	[sflag:s29] =	ssyncadd.s32 $0xFFFFFFFF  }
0xb5: {  	_ =	strace $0x90000048  }
0xb6: {  	_ =	sfence  }
0xb7: {  	s30 =	sld [smem:$0x0];
	_ =	sdelay $0x2  }
0xb8: {  	s31 =	sshll.u32 s1, $0xD;
	s1 =	sshrl.u32 s1, $0x2  }
0xb9: {  	s3 =	sand.u32 $0x4000, s31;
	s1 =	sadd.s32 s1, s30  }
0xba: {  	s0 =	sor.u32 s3, s0;
	s1 =	sshll.u32 s1, $0x11  }
0xbb: {  	s0 =	sor.u32 s1, s0  }
0xbc: {  	s0 =	sadd.s32 $0x8F2B, s0  }
0xbd: {  	[sflag:s0] =	ssyncadd.remote.s32 $0x1  }
0xbe: {  	_ =	sfence.sel $0xFFFF  }
0xbf: {  	[dreg:$0x0] =	wrdreg $0xFFFFFFFF;
	(pc) =	sbr.abs _section_cstart, $3  }
0xc0: {  	[dreg:$0x1] =	wrdreg $0xFFFFFFFF  }
0xc1: {  	_ =	task.clear_ibuf [dreg:s7], $0x2FFFF;
	_ =	strace $0x9FFFFFFF  }
0xc2: {  	(tm) =	ssettm $0x7FFFFFFF  }
0xc3: {  	_ =	shalt  }
tec
execute0_lowered:
.L_overlay_start_1:
0x0: {  	(tag) =	ssettag $0x1  }
0x1: {  	s0 =	rddreg [dreg:$0x0];
	s1 =	srdreg.scid  }
0x2: {  	s8 =	stileid.u32;
	s5 =	rddreg [dreg:$0x1];
	s2 =	simm.s32 $0x0  }
0x3: {  	s13 =	simm.s32 $0xA;
	s14 =	simm.s32 $0x80;
	s15 =	simm.s32 $0x6400  }
0x4: {  	s16 =	simm.s32 $0xA400;
	s18 =	simm.s32 $0xE400;
	s28 =	simm.s32 $0x3  }
0x5: {  	s29 =	simm.s32 $0x4;
	s30 =	simm.s32 $0x7;
	s31 =	simm.s32 $0x5  }
0x6: {  	s1 =	sand.u32 $0x1, s1;
	s3 =	sshll.u32 s8, $0x1;
	s8 =	smul.u32 $0x640000, s8  }
0x7: {  	s3 =	sor.u32 s1, s3;
	s19 =	ssub.s32 $0x2, s1;
	s1 =	smul.u32 $0x320000, s1  }
0x8: {  	s17 =	simm.s32 $0x9;
	[smem:$0x7FF] =	sst s2;
	s4 =	smul.u32 $0xC80, s3  }
0x9: {  	_ =	strace $0x80000047;
	s6 =	smul.u32 $0x320000, s3;
	s7 =	sshrl.u32 s19, $0x1  }
0xa: {  	s3 =	sadd.s32 $0x19C00, s0;
	s7 =	ssub.s32 s19, s7;
	s25 =	sadd.s32 s1, s8  }
0xb: {  	s19 =	simm.s32 $0x6300;
	s0 =	sadd.s32 s4, s0;
	s6 =	sshrl.u32 s6, $0x3  }
0xc: {  	s21 =	smax.u32 s7, $0x1;
	s1 =	sor.u32 $0x10000, s25;
	s26 =	sor.u32 $0x8000, s25  }
0xd: {  	s20 =	sadd.s32 s5, s6;
	s0 =	sadd.s32 $0xC00, s0;
	[dreg:$0x5] =	wrdreg s21  }
0xe: {  	s1 =	sshrl.u32 s1, $0x3;
	s6 =	sshrl.u32 s26, $0x3;
	s21 =	simm.s32 $0x1  }
0xf: {  	s26 =	simm.s32 $0x1A400;
	[dreg:$0x4] =	wrdreg s0;
	s22 =	sadd.s32 $0x61000, s20  }
0x10: {  	s23 =	sadd.s32 $0x62000, s20;
	[dreg:$0x3] =	wrdreg s20;
	s24 =	sadd.s32 $0x63000, s20  }
0x11: {  	s0 =	sor.u32 $0x18000, s25;
	s10 =	sadd.s32 s1, s5;
	[dreg:$0x6] =	wrdreg s22  }
0x12: {  	s11 =	sadd.s32 s6, s5;
	s20 =	simm.s32 $0x12400;
	[dreg:$0x7] =	wrdreg s23  }
0x13: {  	s1 =	simm.s32 $0x6;
	s25 =	simm.s32 $0x0;
	[dreg:$0x8] =	wrdreg s24  }
0x14: {  	s0 =	sshrl.u32 s0, $0x3;
	s22 =	simm.s32 $0x2;
	s24 =	simm.s32 $0x16400  }
0x15: {  	s23 =	simm.s32 $0x6380;
	s12 =	sadd.s32 s0, s5;
	s0 =	simm.s32 $0x8  }
.LBB2_1:
0x16: {  	s4 =	rddreg [dreg:$0x4]  }
0x17: {  	[tilespmem:s2], [sflag:$0xA] =	stream.linear.gather [hbm4b:s4+s2], $0x6400, $0x38;
	[tilespmem:$0x1E400] =	vst v63  }
0x18: {  	_ =	swait.ge [sflag:s13], $0x6400  }
0x19: {  	[sflag:s13] =	ssyncset.done $0x0  }
0x1a: {  	[sflag:s13] =	ssyncadd.s32 $0xFFFF9C00  }
0x1b: {  	[tilespmem:s15], [sflag:$0x1] =	stream.indirect.gather [hbm4b:s3+s14], $0x80, s2, s14, $0xb8;
	[tilespmem:$0x1E400] =	vst v63  }
0x1c: {  	_ = 	snop  }
0x1d: {  	[tilespmem:s16], [sflag:$0x2] =	stream.indirect.gather [hbm4b:s3+s14], $0x80, s14, s14, $0xb8;
	[tilespmem:$0x1E400] =	vst v63  }
0x1e: {  	s6 =	simm.s32 $0x100  }
0x1f: {  	[tilespmem:s18], [sflag:$0x3] =	stream.indirect.gather [hbm4b:s3+s14], $0x80, s6, s14, $0xb8;
	[tilespmem:$0x1E400] =	vst v63  }
0x20: {  	s7 =	simm.s32 $0x180  }
0x21: {  	[tilespmem:s20], [sflag:$0x4] =	stream.indirect.gather [hbm4b:s3+s14], $0x80, s7, s14, $0xb8;
	[tilespmem:$0x1E400] =	vst v63  }
0x22: {  	_ =	swait.ge [sflag:s21], $0x4000  }
0x23: {  	[sflag:s21] =	ssyncset.done $0x0  }
0x24: {  	[sflag:s21] =	ssyncadd.s32 $0xFFFFC000  }
0x25: {  	_ =	swait.ge [sflag:s22], $0x4000  }
0x26: {  	[sflag:s22] =	ssyncset.done $0x0  }
0x27: {  	s8 =	rddreg [dreg:$0x3];
	[sflag:s22] =	ssyncadd.s32 $0xFFFFC000  }
0x28: {  	[hbm4b:s8+s2] =	stream.linear.scatter [tilespmem:s15], [sflag:$0x7], $0x8000, $0x38;
	[tilespmem:$0x1E400] =	vst v63  }
0x29: {  	s9 =	simm.s32 $0x200  }
0x2a: {  	[tilespmem:s24], [sflag:$0x5] =	stream.indirect.gather [hbm4b:s3+s14], $0x80, s9, s14, $0xb8;
	[tilespmem:$0x1E400] =	vst v63  }
0x2b: {  	s5 =	simm.s32 $0x280  }
0x2c: {  	[tilespmem:s26], [sflag:$0x6] =	stream.indirect.gather [hbm4b:s3+s14], $0x80, s5, s14, $0xb8;
	[tilespmem:$0x1E400] =	vst v63  }
0x2d: {  	_ =	swait.ge [sflag:s28], $0x4000  }
0x2e: {  	[sflag:s28] =	ssyncset.done $0x0  }
0x2f: {  	[sflag:s28] =	ssyncadd.s32 $0xFFFFC000  }
0x30: {  	_ =	swait.ge [sflag:s29], $0x4000  }
0x31: {  	[sflag:s29] =	ssyncset.done $0x0  }
0x32: {  	[sflag:s29] =	ssyncadd.s32 $0xFFFFC000  }
0x33: {  	[hbm4b:s11+s2] =	stream.linear.scatter [tilespmem:s18], [sflag:$0x8], $0x8000, $0x38;
	[tilespmem:$0x1E400] =	vst v63  }
0x34: {  	_ =	swait.ge [sflag:s30], $0x8000  }
0x35: {  	[sflag:s30] =	ssyncset.done $0x0  }
0x36: {  	s5 =	simm.s32 $0x300;
	[sflag:s30] =	ssyncadd.s32 $0xFFFF8000  }
0x37: {  	[tilespmem:s15], [sflag:$0x1] =	stream.indirect.gather [hbm4b:s3+s14], $0x80, s5, s14, $0xb8;
	[tilespmem:$0x1E400] =	vst v63  }
0x38: {  	s6 =	simm.s32 $0x380  }
0x39: {  	[tilespmem:s16], [sflag:$0x2] =	stream.indirect.gather [hbm4b:s3+s14], $0x80, s6, s14, $0xb8;
	[tilespmem:$0x1E400] =	vst v63  }
0x3a: {  	_ =	swait.ge [sflag:s31], $0x4000  }
0x3b: {  	[sflag:s31] =	ssyncset.done $0x0  }
0x3c: {  	[sflag:s31] =	ssyncadd.s32 $0xFFFFC000  }
0x3d: {  	_ =	swait.ge [sflag:s1], $0x4000  }
0x3e: {  	[sflag:s1] =	ssyncset.done $0x0  }
0x3f: {  	[sflag:s1] =	ssyncadd.s32 $0xFFFFC000  }
0x40: {  	[hbm4b:s10+s2] =	stream.linear.scatter [tilespmem:s24], [sflag:$0x9], $0x8000, $0x38;
	[tilespmem:$0x1E400] =	vst v63  }
0x41: {  	_ =	swait.ge [sflag:s0], $0x8000  }
0x42: {  	[sflag:s0] =	ssyncset.done $0x0  }
0x43: {  	s7 =	simm.s32 $0x400;
	[sflag:s0] =	ssyncadd.s32 $0xFFFF8000  }
0x44: {  	[tilespmem:s18], [sflag:$0x3] =	stream.indirect.gather [hbm4b:s3+s14], $0x80, s7, s14, $0xb8;
	[tilespmem:$0x1E400] =	vst v63  }
0x45: {  	s8 =	simm.s32 $0x480  }
0x46: {  	[tilespmem:s20], [sflag:$0x4] =	stream.indirect.gather [hbm4b:s3+s14], $0x80, s8, s14, $0xb8;
	[tilespmem:$0x1E400] =	vst v63  }
0x47: {  	_ =	swait.ge [sflag:s21], $0x4000  }
0x48: {  	[sflag:s21] =	ssyncset.done $0x0  }
0x49: {  	[sflag:s21] =	ssyncadd.s32 $0xFFFFC000  }
0x4a: {  	_ =	swait.ge [sflag:s22], $0x4000  }
0x4b: {  	[sflag:s22] =	ssyncset.done $0x0  }
0x4c: {  	[sflag:s22] =	ssyncadd.s32 $0xFFFFC000  }
0x4d: {  	[hbm4b:s12+s2] =	stream.linear.scatter [tilespmem:s15], [sflag:$0x7], $0x8000, $0x38;
	[tilespmem:$0x1E400] =	vst v63  }
0x4e: {  	_ =	swait.ge [sflag:s17], $0x8000  }
0x4f: {  	s9 =	simm.s32 $0x500;
	[sflag:s17] =	ssyncset.done $0x0  }
0x50: {  	s5 =	simm.s32 $0xC00;
	s6 =	sadd.s32 $0x3000, s12;
	[sflag:s17] =	ssyncadd.s32 $0xFFFF8000  }
0x51: {  	[tilespmem:s24], [sflag:$0x5] =	stream.indirect.gather [hbm4b:s3+s14], $0x80, s9, s14, $0xb8;
	[tilespmem:$0x1E400] =	vst v63  }
0x52: {  	s7 =	sadd.s32 $0x3000, s10;
	s8 =	sadd.s32 $0x3000, s11;
	s9 =	simm.s32 $0x580  }
.LBB2_2:
0x53: {  	[tilespmem:s26], [sflag:$0x6] =	stream.indirect.gather [hbm4b:s3+s14], $0x80, s9, s14, $0xb8;
	[tilespmem:$0x1E400] =	vst v63  }
0x54: {  	s9 =	smov.u32 s5  }
0x55: {  	p0 =	sne.s32 s5, $0x17400;
	s5 =	sadd.s32 $0xC00, s5;
	_ =	swait.ge [sflag:s28], $0x4000  }
0x56: {  	[sflag:s28] =	ssyncset.done $0x0  }
0x57: {  	[sflag:s28] =	ssyncadd.s32 $0xFFFFC000  }
0x58: {  	_ =	swait.ge [sflag:s29], $0x4000  }
0x59: {  	[sflag:s29] =	ssyncset.done $0x0  }
0x5a: {  	[sflag:s29] =	ssyncadd.s32 $0xFFFFC000  }
0x5b: {  	[hbm4b:s8+s2] =	stream.linear.scatter [tilespmem:s18], [sflag:$0x8], $0x8000, $0x38;
	[tilespmem:$0x1E400] =	vst v63  }
0x5c: {  	_ =	swait.ge [sflag:s30], $0x8000  }
0x5d: {  	s9 =	sshra.s32 s9, $0x2;
	[sflag:s30] =	ssyncset.done $0x0  }
0x5e: {  	s4 =	sadd.s32 $0x300, s9;
	[sflag:s30] =	ssyncadd.s32 $0xFFFF8000  }
0x5f: {  	[tilespmem:s15], [sflag:$0x1] =	stream.indirect.gather [hbm4b:s3+s14], $0x80, s4, s14, $0xb8;
	[tilespmem:$0x1E400] =	vst v63  }
0x60: {  	s4 =	sadd.s32 $0x380, s9  }
0x61: {  	[tilespmem:s16], [sflag:$0x2] =	stream.indirect.gather [hbm4b:s3+s14], $0x80, s4, s14, $0xb8;
	[tilespmem:$0x1E400] =	vst v63  }
0x62: {  	_ =	swait.ge [sflag:s31], $0x4000  }
0x63: {  	[sflag:s31] =	ssyncset.done $0x0  }
0x64: {  	[sflag:s31] =	ssyncadd.s32 $0xFFFFC000  }
0x65: {  	_ =	swait.ge [sflag:s1], $0x4000  }
0x66: {  	[sflag:s1] =	ssyncset.done $0x0  }
0x67: {  	[sflag:s1] =	ssyncadd.s32 $0xFFFFC000  }
0x68: {  	[hbm4b:s7+s2] =	stream.linear.scatter [tilespmem:s24], [sflag:$0x9], $0x8000, $0x38;
	[tilespmem:$0x1E400] =	vst v63  }
0x69: {  	_ =	swait.ge [sflag:s0], $0x8000  }
0x6a: {  	[sflag:s0] =	ssyncset.done $0x0  }
0x6b: {  	s4 =	sadd.s32 $0x400, s9;
	[sflag:s0] =	ssyncadd.s32 $0xFFFF8000  }
0x6c: {  	[tilespmem:s18], [sflag:$0x3] =	stream.indirect.gather [hbm4b:s3+s14], $0x80, s4, s14, $0xb8;
	[tilespmem:$0x1E400] =	vst v63  }
0x6d: {  	s4 =	sadd.s32 $0x480, s9  }
0x6e: {  	[tilespmem:s20], [sflag:$0x4] =	stream.indirect.gather [hbm4b:s3+s14], $0x80, s4, s14, $0xb8;
	[tilespmem:$0x1E400] =	vst v63  }
0x6f: {  	_ =	swait.ge [sflag:s21], $0x4000  }
0x70: {  	[sflag:s21] =	ssyncset.done $0x0  }
0x71: {  	[sflag:s21] =	ssyncadd.s32 $0xFFFFC000  }
0x72: {  	_ =	swait.ge [sflag:s22], $0x4000  }
0x73: {  	[sflag:s22] =	ssyncset.done $0x0  }
0x74: {  	[sflag:s22] =	ssyncadd.s32 $0xFFFFC000  }
0x75: {  	[hbm4b:s6+s2] =	stream.linear.scatter [tilespmem:s15], [sflag:$0x7], $0x8000, $0x38;
	[tilespmem:$0x1E400] =	vst v63  }
.Ltmp0:
0x76: {  	_ =	swait.ge [sflag:s17], $0x8000;
	(pc) =	sbr.rel @p0 .LBB2_2-.Ltmp0, $4  }
0x77: {  	[sflag:s17] =	ssyncset.done $0x0  }
0x78: {  	s4 =	sadd.s32 $0x500, s9;
	s6 =	sadd.s32 $0x3000, s6;
	[sflag:s17] =	ssyncadd.s32 $0xFFFF8000  }
0x79: {  	[tilespmem:s24], [sflag:$0x5] =	stream.indirect.gather [hbm4b:s3+s14], $0x80, s4, s14, $0xb8;
	[tilespmem:$0x1E400] =	vst v63  }
0x7a: {  	s8 =	sadd.s32 $0x3000, s8;
	s7 =	sadd.s32 $0x3000, s7;
	s9 =	sadd.s32 $0x580, s9  }
0x7b: {  	[tilespmem:s26], [sflag:$0x6] =	stream.indirect.gather [hbm4b:s3+s14], $0x80, s9, s14, $0xb8;
	[tilespmem:$0x1E400] =	vst v63  }
0x7c: {  	_ =	swait.ge [sflag:s28], $0x4000  }
0x7d: {  	[sflag:s28] =	ssyncset.done $0x0  }
0x7e: {  	[sflag:s28] =	ssyncadd.s32 $0xFFFFC000  }
0x7f: {  	_ =	swait.ge [sflag:s29], $0x4000  }
0x80: {  	[sflag:s29] =	ssyncset.done $0x0  }
0x81: {  	s4 =	rddreg [dreg:$0x6];
	[sflag:s29] =	ssyncadd.s32 $0xFFFFC000  }
0x82: {  	[hbm4b:s4+s2] =	stream.linear.scatter [tilespmem:s18], [sflag:$0x8], $0x8000, $0x38;
	[tilespmem:$0x1E400] =	vst v63  }
0x83: {  	_ =	swait.ge [sflag:s30], $0x8000  }
0x84: {  	[sflag:s30] =	ssyncset.done $0x0  }
0x85: {  	[sflag:s30] =	ssyncadd.s32 $0xFFFF8000  }
0x86: {  	[tilespmem:s15], [sflag:$0x1] =	stream.indirect.gather [hbm4b:s3+s14], $0x80, s19, s14, $0xb8;
	[tilespmem:$0x1E400] =	vst v63  }
0x87: {  	_ = 	snop  }
0x88: {  	[tilespmem:s16], [sflag:$0x2] =	stream.indirect.gather [hbm4b:s3+s14], $0x80, s23, s14, $0xb8;
	[tilespmem:$0x1E400] =	vst v63  }
0x89: {  	_ =	swait.ge [sflag:s31], $0x4000  }
0x8a: {  	[sflag:s31] =	ssyncset.done $0x0  }
0x8b: {  	[sflag:s31] =	ssyncadd.s32 $0xFFFFC000  }
0x8c: {  	_ =	swait.ge [sflag:s1], $0x4000  }
0x8d: {  	[sflag:s1] =	ssyncset.done $0x0  }
0x8e: {  	s7 =	rddreg [dreg:$0x7];
	[sflag:s1] =	ssyncadd.s32 $0xFFFFC000  }
0x8f: {  	[hbm4b:s7+s2] =	stream.linear.scatter [tilespmem:s24], [sflag:$0x9], $0x8000, $0x38;
	[tilespmem:$0x1E400] =	vst v63  }
0x90: {  	_ =	swait.ge [sflag:s0], $0x8000  }
0x91: {  	[sflag:s0] =	ssyncset.done $0x0  }
0x92: {  	[sflag:s0] =	ssyncadd.s32 $0xFFFF8000  }
0x93: {  	[tilespmem:s18], [sflag:$0x3] =	stream.indirect.gather [hbm4b:s3+s14], $0x80, s19, s14, $0xb8;
	[tilespmem:$0x1E400] =	vst v63  }
0x94: {  	_ = 	snop  }
0x95: {  	[tilespmem:s20], [sflag:$0x4] =	stream.indirect.gather [hbm4b:s3+s14], $0x80, s23, s14, $0xb8;
	[tilespmem:$0x1E400] =	vst v63  }
0x96: {  	_ =	swait.ge [sflag:s21], $0x4000  }
0x97: {  	[sflag:s21] =	ssyncset.done $0x0  }
0x98: {  	[sflag:s21] =	ssyncadd.s32 $0xFFFFC000  }
0x99: {  	_ =	swait.ge [sflag:s22], $0x4000  }
0x9a: {  	[sflag:s22] =	ssyncset.done $0x0  }
0x9b: {  	s8 =	rddreg [dreg:$0x8];
	[sflag:s22] =	ssyncadd.s32 $0xFFFFC000  }
0x9c: {  	[hbm4b:s8+s2] =	stream.linear.scatter [tilespmem:s15], [sflag:$0x7], $0x8000, $0x38;
	[tilespmem:$0x1E400] =	vst v63  }
0x9d: {  	_ =	swait.ge [sflag:s17], $0x8000  }
0x9e: {  	[sflag:s17] =	ssyncset.done $0x0  }
0x9f: {  	[sflag:s17] =	ssyncadd.s32 $0xFFFF8000  }
0xa0: {  	[tilespmem:s24], [sflag:$0x5] =	stream.indirect.gather [hbm4b:s3+s14], $0x80, s19, s14, $0xb8;
	[tilespmem:$0x1E400] =	vst v63  }
0xa1: {  	_ = 	snop  }
0xa2: {  	[tilespmem:s26], [sflag:$0x6] =	stream.indirect.gather [hbm4b:s3+s14], $0x80, s23, s14, $0xb8;
	[tilespmem:$0x1E400] =	vst v63  }
0xa3: {  	_ =	swait.ge [sflag:s30], $0x8000  }
0xa4: {  	[sflag:s30] =	ssyncset.done $0x0  }
0xa5: {  	[sflag:s30] =	ssyncadd.s32 $0xFFFF8000  }
0xa6: {  	_ =	swait.ge [sflag:s28], $0x4000  }
0xa7: {  	[sflag:s28] =	ssyncset.done $0x0  }
0xa8: {  	[sflag:s28] =	ssyncadd.s32 $0xFFFFC000  }
0xa9: {  	_ =	swait.ge [sflag:s29], $0x4000  }
0xaa: {  	[sflag:s29] =	ssyncset.done $0x0  }
0xab: {  	[sflag:s29] =	ssyncadd.s32 $0xFFFFC000  }
0xac: {  	_ =	swait.ge [sflag:s31], $0x4000  }
0xad: {  	[sflag:s31] =	ssyncset.done $0x0  }
0xae: {  	[sflag:s31] =	ssyncadd.s32 $0xFFFFC000  }
0xaf: {  	_ =	swait.ge [sflag:s1], $0x4000  }
0xb0: {  	s25 =	sadd.s32 $0x1, s25;
	s9 =	rddreg [dreg:$0x5]  }
0xb1: {  	p0 =	sne.s32 s25, s9  }
.Ltmp1:
0xb2: {  	_ = 	snop;
	(pc) =	sbr.rel @p0 .LBB2_1-.Ltmp1, $3  }
0xb3: {  	_ =	sdelay $0x1  }
0xb4: {  	[sflag:s1] =	ssyncset.done $0x0  }
0xb5: {  	[sflag:s1] =	ssyncadd.s32 $0xFFFFC000  }
0xb6: {  	_ =	sfence.sel $0x180000  }
0xb7: {  	[bflag:$0x0] =	sbarrier.arrive $0xFFFF  }
0xb8: {  	_ =	strace $0x90000047  }
0xb9: {  	s0 =	stileid.u32;
	[bflag:$0x2] =	sbarrier.arrive $0xFFFF  }
0xba: {  	p0 =	sne.s32 s0, $0x0;
	s0 =	rddreg [dreg:$0x2]  }
0xbb: {  	s0 =	sadd.s32 @!p0 $0x100000, s0  }
0xbc: {  	[sflag:s0] =	ssyncadd.tile.s32 @!p0 $0x1;
	_ =	shalt  }
.Lfunc_end2:
_tile_overlayer_lowered:
.L_overlay_start_2:
0xbd: {  	(tag) =	ssettag $0x2  }
0xbe: {  	s0 =	rddreg [dreg:$0x0];
	s2 =	stileid.u32  }
0xbf: {  	s1 =	rddreg [dreg:$0x1];
	p0 =	sne.s32 s2, $0x0  }
0xc0: {  	s3 =	rddreg [dreg:$0x2];
	[bflag:$0x3] =	sbarrier.arrive $0xFFFF;
	s2 =	simm.s32 @!p0 $0x1C0A  }
0xc1: {  	[timem:s3], [sflag:s2] =	dma.local @!p0 [hbm:s0], s1  }
0xc2: {  	s0 =	simm.s32 @!p0 $0xA  }
0xc3: {  	_ =	swait.ge @!p0 [sflag:s0], s1  }
0xc4: {  	s1 =	ssub.s32 @!p0 $0x0, s1;
	[sflag:s0] =	ssyncset.done @!p0 $0x0  }
0xc5: {  	[sflag:s0] =	ssyncadd.s32 @!p0 s1  }
0xc6: {  	[bflag:$0x3] =	sbarrier.arrive $0xFFFF  }
0xc7: {  	_ =	shalt  }

</sc_bundles>
